<compile_context>
chip_gen: v7x
topology: tpu7x:2x2x1
jax: 0.10.2.dev20260603
libtpu: 0.0.44.dev20260713+nightly
codegen_flags: <defaults>
</compile_context>

<pallas_src>
import functools
import math

import jax
import jax.numpy as jnp
import numpy as np
from jax import lax
from jax.experimental import pallas as pl
from jax.experimental.pallas import tpu as pltpu
from jax.experimental.pallas import tpu_sc as plsc

_BIG = 1e30


def _pack_bf16_pair(a, b):
    ai = jax.lax.bitcast_convert_type(a, jnp.int32)
    bi = jax.lax.bitcast_convert_type(b, jnp.int32)
    ar = ai + 0x7FFF + ((ai >> 16) & 1)
    br = bi + 0x7FFF + ((bi >> 16) & 1)
    packed = (ar & np.int32(-65536)) | ((br >> 16) & 0xFFFF)
    return jax.lax.bitcast_convert_type(packed, jnp.float32)


def _unpack_bf16_pair(p):
    pi = jax.lax.bitcast_convert_type(p, jnp.int32)
    a = jax.lax.bitcast_convert_type(pi & np.int32(-65536), jnp.float32)
    b = jax.lax.bitcast_convert_type(pi << 16, jnp.float32)
    return a, b


def _corr_body(f1_ref, f2_ref, out_ref):
    d = f1_ref.shape[1]
    out_ref[0] = jax.lax.dot_general(
        f1_ref[0], f2_ref[0], (((0,), (0,)), ((), ())),
        preferred_element_type=jnp.float32,
        precision=jax.lax.Precision.HIGHEST) * (1.0 / math.sqrt(d))


def _round_rne(x):
    return (x + 12582912.0) - 12582912.0


def _sc_voxel_call(corr_nm, coords_flat, c2t_flat, rows, m):
    nw = 32
    rpw = rows // nw
    ch = 64
    nch = rpw // ch
    mesh = plsc.VectorSubcoreMesh(core_axis_name="c", subcore_axis_name="s")

    @functools.partial(
        pl.kernel, mesh=mesh,
        out_type=jax.ShapeDtypeStruct((rows, 96), jnp.float32),
        compiler_params=pltpu.CompilerParams(needs_layout_passes=False),
        scratch_types=[
            pltpu.VMEM((ch, m), jnp.float32),
            pltpu.VMEM((rpw * 3 + 16,), jnp.float32),
            pltpu.VMEM((3 * m,), jnp.float32),
            pltpu.VMEM((ch, 96), jnp.float32),
            pltpu.VMEM((96,), jnp.float32),
            pltpu.VMEM((96,), jnp.float32),
        ],
    )
    def k(corr_hbm, coords_hbm, c2_hbm, out_hbm, corr_v, cd_v, c2_v,
          ob_v, acc_v, cnt_v):
        wid = lax.axis_index("s") * 2 + lax.axis_index("c")
        bi = (wid * rpw) // (rows // 2)
        pltpu.sync_copy(coords_hbm.at[pl.ds(wid * rpw * 3, rpw * 3)],
                        cd_v.at[pl.ds(0, rpw * 3)])
        pltpu.sync_copy(c2_hbm.at[pl.ds(bi * 3 * m, 3 * m)], c2_v)
        ones16 = jnp.full((16,), 1.0, jnp.float32)
        zeros16 = jnp.zeros((16,), jnp.float32)
        for c6 in range(6):
            acc_v[pl.ds(16 * c6, 16)] = zeros16
            cnt_v[pl.ds(16 * c6, 16)] = zeros16

        def do_chunk(g, _):
            rowbase = wid * rpw + g * ch
            pltpu.sync_copy(corr_hbm.at[pl.ds(rowbase, ch), :], corr_v)

            def do_row(r, _):
                off = (g * ch + r) * 3
                cvec = cd_v[pl.ds(off, 16)]
                cx = jnp.full((16,), cvec[0], jnp.float32)
                cy = jnp.full((16,), cvec[1], jnp.float32)
                cz = jnp.full((16,), cvec[2], jnp.float32)

                def do_mchunk(j, _):
                    sl = pl.ds(j * 16, 16)
                    cj = corr_v[r, sl]
                    relx = c2_v[pl.ds(j * 16, 16)] - cx
                    rely = c2_v[pl.ds(m + j * 16, 16)] - cy
                    relz = c2_v[pl.ds(2 * m + j * 16, 16)] - cz
                    for si, s in enumerate((4.0, 2.0, 1.0)):
                        dvx = _round_rne(relx * s)
                        dvy = _round_rne(rely * s)
                        dvz = _round_rne(relz * s)
                        valid = ((jnp.abs(dvx) <= 1.0)
                                 & (jnp.abs(dvy) <= 1.0)
                                 & (jnp.abs(dvz) <= 1.0))
                        idxf = dvx * 9.0 + dvy * 3.0 + dvz + (13.0 + 27.0 * si)
                        idx = jnp.where(valid, idxf, 0.0).astype(jnp.int32)
                        plsc.addupdate_scatter(acc_v, [idx], cj, mask=valid)
                        plsc.addupdate_scatter(cnt_v, [idx], ones16,
                                               mask=valid)
                    return 0

                lax.fori_loop(0, m // 16, do_mchunk, 0)
                for c6 in range(6):
                    sl = pl.ds(16 * c6, 16)
                    a = acc_v[sl]
                    c = cnt_v[sl]
                    ob_v[r, sl] = a / jnp.maximum(c, 1.0)
                    acc_v[sl] = zeros16
                    cnt_v[sl] = zeros16
                return 0

            lax.fori_loop(0, ch, do_row, 0)
            pltpu.sync_copy(ob_v, out_hbm.at[pl.ds(rowbase, ch), :])
            return 0

        lax.fori_loop(0, nch, do_chunk, 0)

    return k(corr_nm, coords_flat, c2t_flat)


def _stage1_body(n_p2, knn, f1_ref, f2_ref, ct_ref, c2_ref, kw_ref, kb_ref,
                 zmax_ref, zmin_ref, zsum_ref, zsq_ref):
    f1 = f1_ref[0]
    f2 = f2_ref[0]
    d = f1.shape[0]
    n = f1.shape[1]
    m = n_p2
    corr = jax.lax.dot_general(
        f2, f1, (((0,), (0,)), ((), ())),
        preferred_element_type=jnp.float32,
        precision=jax.lax.Precision.HIGHEST) * (1.0 / math.sqrt(d))

    cx = ct_ref[0, 0:1, :]
    cy = ct_ref[0, 1:2, :]
    cz = ct_ref[0, 2:3, :]
    c2x = c2_ref[0, :, 0:1]
    c2y = c2_ref[0, :, 1:2]
    c2z = c2_ref[0, :, 2:3]
    relx = c2x - cx
    rely = c2y - cy
    relz = c2z - cz

    dist = relx * relx + rely * rely + relz * relz
    iota = jax.lax.broadcasted_iota(jnp.int32, (m, n), 0)
    key0 = ((jax.lax.bitcast_convert_type(dist, jnp.int32)
             & np.int32(-512)) | iota)
    p1 = _pack_bf16_pair(corr, relx)
    p2 = _pack_bf16_pair(rely, relz)
    kw0 = kw_ref[:, 0:1]
    kw1 = kw_ref[:, 1:2]
    kw2 = kw_ref[:, 2:3]
    kw3 = kw_ref[:, 3:4]
    kb = kb_ref[:, 0:1]

    def body(_, carry):
        kcur, zmax, zmin, fs1, fs2, fs3, fs4, zq = carry
        mn = jnp.min(kcur, axis=0, keepdims=True)
        fm = kcur == mn
        s1 = jnp.sum(jnp.where(fm, p1, 0.0), axis=0, keepdims=True)
        s2 = jnp.sum(jnp.where(fm, p2, 0.0), axis=0, keepdims=True)
        csel, rxs = _unpack_bf16_pair(s1)
        rys, rzs = _unpack_bf16_pair(s2)
        z = kw0 * csel + kw1 * rxs + kw2 * rys + kw3 * rzs + kb
        kcur = jnp.where(fm, jnp.int32(2 ** 31 - 1), kcur)
        return (kcur, jnp.maximum(zmax, z), jnp.minimum(zmin, z),
                fs1 + csel, fs2 + rxs, fs3 + rys, fs4 + rzs, zq + z * z)

    z0 = jnp.zeros((64, n), jnp.float32)
    r0 = jnp.zeros((1, n), jnp.float32)
    init = (key0, jnp.full((64, n), -_BIG, jnp.float32),
            jnp.full((64, n), _BIG, jnp.float32), r0, r0, r0, r0, z0)
    (_, zmax, zmin, fs1, fs2, fs3, fs4,
     zq) = jax.lax.fori_loop(0, knn, body, init)
    zs = (kw0 * fs1 + kw1 * fs2 + kw2 * fs3 + kw3 * fs4
          + jnp.float32(knn) * kb)
    zmax_ref[0] = zmax
    zmin_ref[0] = zmin

    ib = pl.program_id(1)
    ps = jnp.sum(zs, axis=1, keepdims=True)
    pq = jnp.sum(zq, axis=1, keepdims=True)

    @pl.when(ib == 0)
    def _():
        zsum_ref[0] = ps
        zsq_ref[0] = pq

    @pl.when(ib != 0)
    def _():
        zsum_ref[0] += ps
        zsq_ref[0] += pq


def _stage2_body(n_p, knn, vox_ref, zmax_ref, zmin_ref, zsum_ref, zsq_ref,
                 w1_ref, b1_ref, g1_ref, be1_ref, a1_ref, w2_ref, b2_ref,
                 kg_ref, kbe_ref, ka_ref, ow_ref, ob_ref, out_ref):
    eps = jnp.float32(1e-5)
    vox = vox_ref[0][:, 0:81]
    x = jax.lax.dot_general(
        w1_ref[...], vox, (((1,), (1,)), ((), ())),
        preferred_element_type=jnp.float32,
        precision=jax.lax.Precision.HIGHEST) + b1_ref[...]
    chs = jnp.sum(x, axis=1, keepdims=True)
    chq = jnp.sum(x * x, axis=1, keepdims=True)
    gi = jax.lax.broadcasted_iota(jnp.int32, (8, 128), 0)
    ci = jax.lax.broadcasted_iota(jnp.int32, (8, 128), 1)
    gmat = ((ci // 16) == gi).astype(jnp.float32)
    emat = gmat.T
    cnt1 = jnp.float32(16 * n_p)
    gmean = jax.lax.dot_general(gmat, chs, (((1,), (0,)), ((), ())),
                                preferred_element_type=jnp.float32) / cnt1
    gsq = jax.lax.dot_general(gmat, chq, (((1,), (0,)), ((), ())),
                              preferred_element_type=jnp.float32) / cnt1
    gvar = gsq - gmean * gmean
    mean_c = jax.lax.dot_general(emat, gmean, (((1,), (0,)), ((), ())),
                                 preferred_element_type=jnp.float32)
    var_c = jax.lax.dot_general(emat, gvar, (((1,), (0,)), ((), ())),
                                preferred_element_type=jnp.float32)
    xn = (x - mean_c) * (g1_ref[...] * jax.lax.rsqrt(var_c + eps)) + be1_ref[...]
    xa = jnp.where(xn >= 0.0, xn, a1_ref[0, 0] * xn)
    vol_out = jax.lax.dot_general(
        w2_ref[...], xa, (((1,), (0,)), ((), ())),
        preferred_element_type=jnp.float32,
        precision=jax.lax.Precision.HIGHEST) + b2_ref[...]

    zsum = zsum_ref[0]
    zsq = zsq_ref[0]
    gi2 = jax.lax.broadcasted_iota(jnp.int32, (8, 64), 0)
    ci2 = jax.lax.broadcasted_iota(jnp.int32, (8, 64), 1)
    gmat2 = ((ci2 // 8) == gi2).astype(jnp.float32)
    emat2 = gmat2.T
    cnt2 = jnp.float32(8 * n_p * knn)
    gmean2 = jax.lax.dot_general(gmat2, zsum, (((1,), (0,)), ((), ())),
                                 preferred_element_type=jnp.float32) / cnt2
    gsq2 = jax.lax.dot_general(gmat2, zsq, (((1,), (0,)), ((), ())),
                               preferred_element_type=jnp.float32) / cnt2
    gvar2 = gsq2 - gmean2 * gmean2
    mean_k = jax.lax.dot_general(emat2, gmean2, (((1,), (0,)), ((), ())),
                                 preferred_element_type=jnp.float32)
    var_k = jax.lax.dot_general(emat2, gvar2, (((1,), (0,)), ((), ())),
                                preferred_element_type=jnp.float32)
    slope = kg_ref[...] * jax.lax.rsqrt(var_k + eps)
    shift = kbe_ref[...] - mean_k * slope
    zpick = jnp.where(slope >= 0.0, zmax_ref[0], zmin_ref[0])
    kf = slope * zpick + shift
    kf = jnp.where(kf >= 0.0, kf, ka_ref[0, 0] * kf)
    knn_out = jax.lax.dot_general(
        ow_ref[...], kf, (((1,), (0,)), ((), ())),
        preferred_element_type=jnp.float32,
        precision=jax.lax.Precision.HIGHEST) + ob_ref[...]
    out_ref[0] = vol_out + knn_out


def _pvx_forward(coords, coords2, fmap1, fmap2, vol_w1, vol_b1, vol_g1,
                 vol_be1, vol_a, vol_w2, vol_b2, knn_w, knn_b, knn_g, knn_be,
                 knn_a, out_w, out_b, *, block_n=512, interpret=False):
    b, n_p, _ = coords.shape
    n_p2 = coords2.shape[1]
    d = fmap1.shape[1]
    knn = 32
    block_n = min(block_n, n_p)
    nb = n_p // block_n
    coords_t = jnp.transpose(coords, (0, 2, 1))
    kb2 = knn_b.reshape(64, 1)

    cb = 512
    corr_nm = pl.pallas_call(
        _corr_body,
        grid=(b, n_p // cb),
        in_specs=[
            pl.BlockSpec((1, d, cb), lambda i, j: (i, 0, j)),
            pl.BlockSpec((1, d, n_p2), lambda i, j: (i, 0, 0)),
        ],
        out_specs=pl.BlockSpec((1, cb, n_p2), lambda i, j: (i, j, 0)),
        out_shape=jax.ShapeDtypeStruct((b, n_p, n_p2), jnp.float32),
        interpret=interpret,
    )(fmap1, fmap2)

    rows = b * n_p
    vox = _sc_voxel_call(corr_nm.reshape(rows, n_p2),
                         coords.reshape(rows * 3),
                         jnp.transpose(coords2, (0, 2, 1)).reshape(b * 3 * n_p2),
                         rows, n_p2)
    vox = vox.reshape(b, n_p, 96)

    grid1 = (b, nb)
    zmax, zmin, zsum, zsq = pl.pallas_call(
        functools.partial(_stage1_body, n_p2, knn),
        grid=grid1,
        in_specs=[
            pl.BlockSpec((1, d, block_n), lambda i, j: (i, 0, j)),
            pl.BlockSpec((1, d, n_p2), lambda i, j: (i, 0, 0)),
            pl.BlockSpec((1, 3, block_n), lambda i, j: (i, 0, j)),
            pl.BlockSpec((1, n_p2, 3), lambda i, j: (i, 0, 0)),
            pl.BlockSpec((64, 4), lambda i, j: (0, 0)),
            pl.BlockSpec((64, 1), lambda i, j: (0, 0)),
        ],
        out_specs=[
            pl.BlockSpec((1, 64, block_n), lambda i, j: (i, 0, j)),
            pl.BlockSpec((1, 64, block_n), lambda i, j: (i, 0, j)),
            pl.BlockSpec((1, 64, 1), lambda i, j: (i, 0, 0)),
            pl.BlockSpec((1, 64, 1), lambda i, j: (i, 0, 0)),
        ],
        out_shape=[
            jax.ShapeDtypeStruct((b, 64, n_p), jnp.float32),
            jax.ShapeDtypeStruct((b, 64, n_p), jnp.float32),
            jax.ShapeDtypeStruct((b, 64, 1), jnp.float32),
            jax.ShapeDtypeStruct((b, 64, 1), jnp.float32),
        ],
        interpret=interpret,
    )(fmap1, fmap2, coords_t, coords2, knn_w, kb2)

    out = pl.pallas_call(
        functools.partial(_stage2_body, n_p, knn),
        grid=(b,),
        in_specs=[
            pl.BlockSpec((1, n_p, 96), lambda i: (i, 0, 0)),
            pl.BlockSpec((1, 64, n_p), lambda i: (i, 0, 0)),
            pl.BlockSpec((1, 64, n_p), lambda i: (i, 0, 0)),
            pl.BlockSpec((1, 64, 1), lambda i: (i, 0, 0)),
            pl.BlockSpec((1, 64, 1), lambda i: (i, 0, 0)),
            pl.BlockSpec((128, 81), lambda i: (0, 0)),
            pl.BlockSpec((128, 1), lambda i: (0, 0)),
            pl.BlockSpec((128, 1), lambda i: (0, 0)),
            pl.BlockSpec((128, 1), lambda i: (0, 0)),
            pl.BlockSpec((1, 1), lambda i: (0, 0)),
            pl.BlockSpec((192, 128), lambda i: (0, 0)),
            pl.BlockSpec((192, 1), lambda i: (0, 0)),
            pl.BlockSpec((64, 1), lambda i: (0, 0)),
            pl.BlockSpec((64, 1), lambda i: (0, 0)),
            pl.BlockSpec((1, 1), lambda i: (0, 0)),
            pl.BlockSpec((192, 64), lambda i: (0, 0)),
            pl.BlockSpec((192, 1), lambda i: (0, 0)),
        ],
        out_specs=pl.BlockSpec((1, 192, n_p), lambda i: (i, 0, 0)),
        out_shape=jax.ShapeDtypeStruct((b, 192, n_p), jnp.float32),
        interpret=interpret,
    )(vox, zmax, zmin, zsum, zsq,
      vol_w1, vol_b1.reshape(128, 1), vol_g1.reshape(128, 1),
      vol_be1.reshape(128, 1), vol_a.reshape(1, 1),
      vol_w2, vol_b2.reshape(192, 1),
      knn_g.reshape(64, 1), knn_be.reshape(64, 1), knn_a.reshape(1, 1),
      out_w, out_b.reshape(192, 1))
    return out


def kernel(coords, coords2, fmap1, fmap2, vol_w1, vol_b1, vol_g1, vol_be1,
           vol_a, vol_w2, vol_b2, knn_w, knn_b, knn_g, knn_be, knn_a,
           out_w, out_b):
    return _pvx_forward(coords, coords2, fmap1, fmap2, vol_w1, vol_b1,
                        vol_g1, vol_be1, vol_a, vol_w2, vol_b2, knn_w, knn_b,
                        knn_g, knn_be, knn_a, out_w, out_b)

# --- scband reference (transcript-rebuilt; emitter-appended) ---
"""Pipeline reference for scband-point-voxel-xcorr-39127152067009 (READ-ONLY COPY).

The authoritative reference and input builder live on the scoring server;
editing this copy changes nothing except your own understanding.
"""

import jax, jax.numpy as jnp
import numpy as np


def group_norm(x, gamma, beta, groups, eps=1e-5):
    shape = x.shape
    b, C = shape[0], shape[1]
    xg = x.reshape((b, groups, C // groups) + shape[2:])
    axes = tuple(range(2, xg.ndim))
    mean = jnp.mean(xg, axis=axes, keepdims=True)
    var = jnp.var(xg, axis=axes, keepdims=True)
    xg = (xg - mean) / jnp.sqrt(var + eps)
    x = xg.reshape(shape)
    gshape = (1, C) + (1,) * (x.ndim - 2)
    return x * gamma.reshape(gshape) + beta.reshape(gshape)


def prelu(x, a):
    return jnp.where(x >= 0, x, a * x)


def _forward(coords, coords2, fmap1, fmap2, vol_w1, vol_b1, vol_g1, vol_be1, vol_a, vol_w2, vol_b2, knn_w, knn_b, knn_g, knn_be, knn_a, out_w, out_b):
    b, n_p, _ = coords.shape
    n_p2 = coords2.shape[1]
    dim = fmap1.shape[1]
    knn = 32
    res3 = 27
    # correlation volume: [b, n_p, n_p2]
    corr = jnp.einsum('bdn,bdm->bnm', fmap1, fmap2) / jnp.sqrt(jnp.float32(dim))
    # relative positions truncate_xyz2 - coords: [b, n_p, n_p2, 3]
    rel = coords2[:, None, :, :] - coords[:, :, None, :]
    bi = jnp.arange(b)[:, None, None]
    ni = jnp.arange(n_p)[None, :, None]
    feats = []
    for i in range(3):
        r = 0.25 * (2 ** i)
        rel_sg = jax.lax.stop_gradient(rel)
        dv = jnp.round(rel_sg / r)
        valid = jnp.all(jnp.abs(dv) <= 1.0, axis=-1)
        dv = dv + 1.0
        cube = (dv[..., 0] * 9.0 + dv[..., 1] * 3.0 + dv[..., 2]).astype(jnp.int32)
        cube = cube * valid.astype(jnp.int32)
        validf = valid.astype(corr.dtype)
        corr_add = jnp.zeros((b, n_p, res3), corr.dtype).at[bi, ni, cube].add(corr * validf)
        corr_cnt = jnp.zeros((b, n_p, res3), corr.dtype).at[bi, ni, cube].add(validf)
        corr_cnt = jnp.clip(corr_cnt, 1.0, float(n_p))
        feats.append(jnp.transpose(corr_add / corr_cnt, (0, 2, 1)))
    vox = jnp.concatenate(feats, axis=1)  # [b, 81, n_p]
    x = jnp.einsum('oc,bcn->bon', vol_w1, vox) + vol_b1[None, :, None]
    x = group_norm(x, vol_g1, vol_be1, 8)
    x = prelu(x, vol_a)
    vol_out = jnp.einsum('oc,bcn->bon', vol_w2, x) + vol_b2[None, :, None]
    # knn branch
    dist = jnp.sum(rel ** 2, axis=-1)  # [b, n_p, n_p2]
    _, nbr = jax.lax.top_k(-dist, knn)  # [b, n_p, knn]
    knn_corr = jnp.take_along_axis(corr, nbr, axis=2)[:, None, :, :]  # [b,1,n_p,knn]
    gathered = coords2[jnp.arange(b)[:, None, None], nbr]  # [b, n_p, knn, 3]
    knn_xyz = jnp.transpose(gathered - coords[:, :, None, :], (0, 3, 1, 2))  # [b,3,n_p,knn]
    kf = jnp.concatenate([knn_corr, knn_xyz], axis=1)  # [b,4,n_p,knn]
    kf = jnp.einsum('oc,bcnk->bonk', knn_w, kf) + knn_b[None, :, None, None]
    kf = group_norm(kf, knn_g, knn_be, 8)
    kf = prelu(kf, knn_a)
    kf = jnp.max(kf, axis=3)  # [b,64,n_p]
    knn_out = jnp.einsum('oc,bcn->bon', out_w, kf) + out_b[None, :, None]
    return vol_out + knn_out


def setup_inputs(seed: int = 0):
    key = jax.random.key(seed)
    ks = jax.random.split(key, 10)
    b, n_p, n_p2, d, fc = 2, 4096, 512, 256, 192
    inp = {}
    inp['coords'] = jax.random.normal(ks[0], (b, n_p, 3), jnp.float32)
    inp['coords2'] = jax.random.normal(ks[1], (b, n_p2, 3), jnp.float32)
    inp['fmap1'] = jax.random.normal(ks[2], (b, d, n_p), jnp.float32)
    inp['fmap2'] = jax.random.normal(ks[3], (b, d, n_p2), jnp.float32)
    inp['vol_w1'] = jax.random.normal(ks[4], (128, 81), jnp.float32) * 0.05
    inp['vol_b1'] = jnp.zeros((128,), jnp.float32)
    inp['vol_g1'] = jnp.ones((128,), jnp.float32)
    inp['vol_be1'] = jnp.zeros((128,), jnp.float32)
    inp['vol_a'] = jnp.array(0.25, jnp.float32)
    inp['vol_w2'] = jax.random.normal(ks[5], (fc, 128), jnp.float32) * 0.05
    inp['vol_b2'] = jnp.zeros((fc,), jnp.float32)
    inp['knn_w'] = jax.random.normal(ks[6], (64, 4), jnp.float32) * 0.05
    inp['knn_b'] = jnp.zeros((64,), jnp.float32)
    inp['knn_g'] = jnp.ones((64,), jnp.float32)
    inp['knn_be'] = jnp.zeros((64,), jnp.float32)
    inp['knn_a'] = jnp.array(0.25, jnp.float32)
    inp['out_w'] = jax.random.normal(ks[7], (fc, 64), jnp.float32) * 0.05
    inp['out_b'] = jnp.zeros((fc,), jnp.float32)
    return inp


def reference(coords, coords2, fmap1, fmap2, vol_w1, vol_b1, vol_g1, vol_be1, vol_a, vol_w2, vol_b2, knn_w, knn_b, knn_g, knn_be, knn_a, out_w, out_b):
    return _forward(coords, coords2, fmap1, fmap2, vol_w1, vol_b1, vol_g1, vol_be1, vol_a, vol_w2, vol_b2, knn_w, knn_b, knn_g, knn_be, knn_a, out_w, out_b)

if __name__ == "__main__":
    import jax
    _d = setup_inputs()
    print(jax.jit(kernel)(*tuple(_d.values())))

</pallas_src>

<mosaic_0001>
#map = affine_map<(d0, d1) -> (0, 0)>
#map1 = affine_map<(d0, d1) -> (0)>
module attributes {stable_mosaic.version = 14 : i64} {
  func.func @k(%arg0: i32, %arg1: i32, %arg2: memref<8192x512xf32, #tpu.memory_space<hbm>>, %arg3: memref<24576xf32, #tpu.memory_space<hbm>>, %arg4: memref<3072xf32, #tpu.memory_space<hbm>>, %arg5: memref<8192x96xf32, #tpu.memory_space<hbm>>, %arg6: memref<64x512xf32, #tpu.memory_space<vmem>>, %arg7: memref<784xf32, #tpu.memory_space<vmem>>, %arg8: memref<1536xf32, #tpu.memory_space<vmem>>, %arg9: memref<64x96xf32, #tpu.memory_space<vmem>>, %arg10: memref<96xf32, #tpu.memory_space<vmem>>, %arg11: memref<96xf32, #tpu.memory_space<vmem>>) attributes {dimension_semantics = [#tpu.dimension_semantics<core_parallel>, #tpu.dimension_semantics<subcore_parallel>], iteration_bounds = array<i64: 2, 16>, scalar_prefetch = 0 : i64, scratch_operands = 6 : i64, tpu.core_type = #tpu.core_type<sc_vector_subcore>, window_params = [{transform_indices = #map}, {transform_indices = #map1}, {transform_indices = #map1}, {transform_indices = #map}]} {
    %mul3A = arith.constant 2 : i32
    %mul3A_0 = arith.muli %arg1, %mul3A : i32
    %add3A = arith.addi %mul3A_0, %arg0 : i32
    %mul3A_1 = arith.constant 256 : i32
    %mul3A_2 = arith.muli %add3A, %mul3A_1 : i32
    %jit3A = arith.constant 4096 : i32
    %div3A = arith.divsi %mul3A_2, %jit3A : i32
    %sign3A = arith.constant 0 : i32
    %sign3A_3 = arith.cmpi sgt, %mul3A_2, %sign3A : i32
    %sign3A_4 = arith.extui %sign3A_3 : i1 to i32
    %sign3A_5 = arith.constant 0 : i32
    %sign3A_6 = arith.cmpi slt, %mul3A_2, %sign3A_5 : i32
    %sign3A_7 = arith.extui %sign3A_6 : i1 to i32
    %sign3A_8 = arith.subi %sign3A_4, %sign3A_7 : i32
    %sign3A_9 = arith.constant 0 : i32
    %sign3A_10 = arith.cmpi sgt, %jit3A, %sign3A_9 : i32
    %sign3A_11 = arith.extui %sign3A_10 : i1 to i32
    %sign3A_12 = arith.constant 0 : i32
    %sign3A_13 = arith.cmpi slt, %jit3A, %sign3A_12 : i32
    %sign3A_14 = arith.extui %sign3A_13 : i1 to i32
    %sign3A_15 = arith.subi %sign3A_11, %sign3A_14 : i32
    %ne3A = arith.cmpi ne, %sign3A_8, %sign3A_15 : i32
    %rem3A = arith.remsi %mul3A_2, %jit3A : i32
    %ne3A_16 = arith.constant 0 : i32
    %ne3A_17 = arith.cmpi ne, %rem3A, %ne3A_16 : i32
    %and3A = arith.andi %ne3A, %ne3A_17 : i1
    %sub3A = arith.constant 1 : i32
    %sub3A_18 = arith.subi %div3A, %sub3A : i32
    %select_n3A = arith.select %and3A, %sub3A_18, %div3A : i32
    %mul3A_19 = arith.constant 256 : i32
    %mul3A_20 = arith.muli %add3A, %mul3A_19 : i32
    %mul3A_21 = arith.constant 3 : i32
    %mul3A_22 = arith.muli %mul3A_20, %mul3A_21 : i32
    "tpu.region"() ({
      %run_scoped3A = tpu.sem_alloc : memref<!tpu.dma_semaphore, #tpu.memory_space<semaphore_mem>>
      %dma_start3A = arith.constant 0 : i32
      %dma_start3A_59 = tpu.memref_slice %arg7[%dma_start3A] : memref<784xf32, #tpu.memory_space<vmem>> -> memref<768xf32, #tpu.memory_space<vmem>>
      %dma_start3A_60 = tpu.memref_slice %arg3[%mul3A_22] : memref<24576xf32, #tpu.memory_space<hbm>> -> memref<768xf32, #tpu.memory_space<hbm>>
      %dma_start3A_61 = arith.constant 0 : i32
      %dma_start3A_62 = tpu.memref_slice %arg7[%dma_start3A_61] : memref<784xf32, #tpu.memory_space<vmem>> -> memref<768xf32, #tpu.memory_space<vmem>>
      %dma_start3A_63 = tpu.memref_slice %arg3[%mul3A_22] : memref<24576xf32, #tpu.memory_space<hbm>> -> memref<768xf32, #tpu.memory_space<hbm>>
      tpu.enqueue_dma source(%dma_start3A_63 : memref<768xf32, #tpu.memory_space<hbm>>) target(%dma_start3A_62 : memref<768xf32, #tpu.memory_space<vmem>>) target_semaphore(%run_scoped3A : memref<!tpu.dma_semaphore, #tpu.memory_space<semaphore_mem>>)
      %dma_wait3A = arith.constant 0 : i32
      %dma_wait3A_64 = tpu.memref_slice %arg7[%dma_wait3A] : memref<784xf32, #tpu.memory_space<vmem>> -> memref<768xf32, #tpu.memory_space<vmem>>
      %dma_wait3A_65 = tpu.memref_slice %arg3[%mul3A_22] : memref<24576xf32, #tpu.memory_space<hbm>> -> memref<768xf32, #tpu.memory_space<hbm>>
      %dma_wait3A_66 = arith.constant 0 : i32
      %dma_wait3A_67 = tpu.memref_slice %arg7[%dma_wait3A_66] : memref<784xf32, #tpu.memory_space<vmem>> -> memref<768xf32, #tpu.memory_space<vmem>>
      %dma_wait3A_68 = tpu.memref_slice %arg3[%mul3A_22] : memref<24576xf32, #tpu.memory_space<hbm>> -> memref<768xf32, #tpu.memory_space<hbm>>
      tpu.wait_dma2 semaphore(%run_scoped3A : memref<!tpu.dma_semaphore, #tpu.memory_space<semaphore_mem>>) src(%dma_wait3A_68 : memref<768xf32, #tpu.memory_space<hbm>>) dst(%dma_wait3A_67 : memref<768xf32, #tpu.memory_space<vmem>>)
      tpu.yield
    }) : () -> ()
    %mul3A_23 = arith.constant 3 : i32
    %mul3A_24 = arith.muli %select_n3A, %mul3A_23 : i32
    %mul3A_25 = arith.constant 512 : i32
    %mul3A_26 = arith.muli %mul3A_24, %mul3A_25 : i32
    "tpu.region"() ({
      %run_scoped3A = tpu.sem_alloc : memref<!tpu.dma_semaphore, #tpu.memory_space<semaphore_mem>>
      %dma_start3A = tpu.memref_slice %arg4[%mul3A_26] : memref<3072xf32, #tpu.memory_space<hbm>> -> memref<1536xf32, #tpu.memory_space<hbm>>
      %dma_start3A_59 = tpu.memref_slice %arg4[%mul3A_26] : memref<3072xf32, #tpu.memory_space<hbm>> -> memref<1536xf32, #tpu.memory_space<hbm>>
      tpu.enqueue_dma source(%dma_start3A_59 : memref<1536xf32, #tpu.memory_space<hbm>>) target(%arg8 : memref<1536xf32, #tpu.memory_space<vmem>>) target_semaphore(%run_scoped3A : memref<!tpu.dma_semaphore, #tpu.memory_space<semaphore_mem>>)
      %dma_wait3A = tpu.memref_slice %arg4[%mul3A_26] : memref<3072xf32, #tpu.memory_space<hbm>> -> memref<1536xf32, #tpu.memory_space<hbm>>
      %dma_wait3A_60 = tpu.memref_slice %arg4[%mul3A_26] : memref<3072xf32, #tpu.memory_space<hbm>> -> memref<1536xf32, #tpu.memory_space<hbm>>
      tpu.wait_dma2 semaphore(%run_scoped3A : memref<!tpu.dma_semaphore, #tpu.memory_space<semaphore_mem>>) src(%dma_wait3A_60 : memref<1536xf32, #tpu.memory_space<hbm>>) dst(%arg8 : memref<1536xf32, #tpu.memory_space<vmem>>)
      tpu.yield
    }) : () -> ()
    %broadcast_in_dim3A = arith.constant 1.000000e+00 : f32
    %broadcast_in_dim3A_27 = vector.broadcast %broadcast_in_dim3A : f32 to vector<16xf32>
    %broadcast_in_dim3A_28 = arith.constant 0.000000e+00 : f32
    %broadcast_in_dim3A_29 = vector.broadcast %broadcast_in_dim3A_28 : f32 to vector<16xf32>
    %swap3A = arith.constant 0 : index
    %swap3A_30 = tpu.vector_load %arg10[%swap3A] {strides = array<i32>} : memref<96xf32, #tpu.memory_space<vmem>>, vector<16xf32>,
    tpu.vector_store %arg10[%swap3A], %broadcast_in_dim3A_29 {strides = array<i32>} : memref<96xf32, #tpu.memory_space<vmem>>, vector<16xf32>,
    %swap3A_31 = arith.constant 0 : index
    %swap3A_32 = tpu.vector_load %arg11[%swap3A_31] {strides = array<i32>} : memref<96xf32, #tpu.memory_space<vmem>>, vector<16xf32>,
    tpu.vector_store %arg11[%swap3A_31], %broadcast_in_dim3A_29 {strides = array<i32>} : memref<96xf32, #tpu.memory_space<vmem>>, vector<16xf32>,
    %swap3A_33 = arith.constant 16 : index
    %swap3A_34 = tpu.vector_load %arg10[%swap3A_33] {strides = array<i32>} : memref<96xf32, #tpu.memory_space<vmem>>, vector<16xf32>,
    tpu.vector_store %arg10[%swap3A_33], %broadcast_in_dim3A_29 {strides = array<i32>} : memref<96xf32, #tpu.memory_space<vmem>>, vector<16xf32>,
    %swap3A_35 = arith.constant 16 : index
    %swap3A_36 = tpu.vector_load %arg11[%swap3A_35] {strides = array<i32>} : memref<96xf32, #tpu.memory_space<vmem>>, vector<16xf32>,
    tpu.vector_store %arg11[%swap3A_35], %broadcast_in_dim3A_29 {strides = array<i32>} : memref<96xf32, #tpu.memory_space<vmem>>, vector<16xf32>,
    %swap3A_37 = arith.constant 32 : index
    %swap3A_38 = tpu.vector_load %arg10[%swap3A_37] {strides = array<i32>} : memref<96xf32, #tpu.memory_space<vmem>>, vector<16xf32>,
    tpu.vector_store %arg10[%swap3A_37], %broadcast_in_dim3A_29 {strides = array<i32>} : memref<96xf32, #tpu.memory_space<vmem>>, vector<16xf32>,
    %swap3A_39 = arith.constant 32 : index
    %swap3A_40 = tpu.vector_load %arg11[%swap3A_39] {strides = array<i32>} : memref<96xf32, #tpu.memory_space<vmem>>, vector<16xf32>,
    tpu.vector_store %arg11[%swap3A_39], %broadcast_in_dim3A_29 {strides = array<i32>} : memref<96xf32, #tpu.memory_space<vmem>>, vector<16xf32>,
    %swap3A_41 = arith.constant 48 : index
    %swap3A_42 = tpu.vector_load %arg10[%swap3A_41] {strides = array<i32>} : memref<96xf32, #tpu.memory_space<vmem>>, vector<16xf32>,
    tpu.vector_store %arg10[%swap3A_41], %broadcast_in_dim3A_29 {strides = array<i32>} : memref<96xf32, #tpu.memory_space<vmem>>, vector<16xf32>,
    %swap3A_43 = arith.constant 48 : index
    %swap3A_44 = tpu.vector_load %arg11[%swap3A_43] {strides = array<i32>} : memref<96xf32, #tpu.memory_space<vmem>>, vector<16xf32>,
    tpu.vector_store %arg11[%swap3A_43], %broadcast_in_dim3A_29 {strides = array<i32>} : memref<96xf32, #tpu.memory_space<vmem>>, vector<16xf32>,
    %swap3A_45 = arith.constant 64 : index
    %swap3A_46 = tpu.vector_load %arg10[%swap3A_45] {strides = array<i32>} : memref<96xf32, #tpu.memory_space<vmem>>, vector<16xf32>,
    tpu.vector_store %arg10[%swap3A_45], %broadcast_in_dim3A_29 {strides = array<i32>} : memref<96xf32, #tpu.memory_space<vmem>>, vector<16xf32>,
    %swap3A_47 = arith.constant 64 : index
    %swap3A_48 = tpu.vector_load %arg11[%swap3A_47] {strides = array<i32>} : memref<96xf32, #tpu.memory_space<vmem>>, vector<16xf32>,
    tpu.vector_store %arg11[%swap3A_47], %broadcast_in_dim3A_29 {strides = array<i32>} : memref<96xf32, #tpu.memory_space<vmem>>, vector<16xf32>,
    %swap3A_49 = arith.constant 80 : index
    %swap3A_50 = tpu.vector_load %arg10[%swap3A_49] {strides = array<i32>} : memref<96xf32, #tpu.memory_space<vmem>>, vector<16xf32>,
    tpu.vector_store %arg10[%swap3A_49], %broadcast_in_dim3A_29 {strides = array<i32>} : memref<96xf32, #tpu.memory_space<vmem>>, vector<16xf32>,
    %swap3A_51 = arith.constant 80 : index
    %swap3A_52 = tpu.vector_load %arg11[%swap3A_51] {strides = array<i32>} : memref<96xf32, #tpu.memory_space<vmem>>, vector<16xf32>,
    tpu.vector_store %arg11[%swap3A_51], %broadcast_in_dim3A_29 {strides = array<i32>} : memref<96xf32, #tpu.memory_space<vmem>>, vector<16xf32>,
    %scan3A = arith.constant 0 : i32
    %scan3A_53 = arith.constant 0 : i32
    %scan3A_54 = arith.constant 4 : i32
    %scan3A_55 = arith.addi %scan3A_53, %scan3A_54 : i32
    %scan3A_56 = arith.constant 1 : i32
    %scan3A_57 = scf.for %scan3A_59 = %scan3A_53 to %scan3A_55 step %scan3A_56 iter_args(%scan3A_60 = %scan3A) -> (i32)  : i32 {
      %mul3A_61 = arith.constant 256 : i32
      %mul3A_62 = arith.muli %add3A, %mul3A_61 : i32
      %mul3A_63 = arith.constant 64 : i32
      %mul3A_64 = arith.muli %scan3A_59, %mul3A_63 : i32
      %add3A_65 = arith.addi %mul3A_62, %mul3A_64 : i32
      "tpu.region"() ({
        %run_scoped3A = tpu.sem_alloc : memref<!tpu.dma_semaphore, #tpu.memory_space<semaphore_mem>>
        %dma_start3A = arith.constant 0 : i32
        %dma_start3A_74 = tpu.memref_slice %arg2[%add3A_65, %dma_start3A] : memref<8192x512xf32, #tpu.memory_space<hbm>> -> memref<64x512xf32, #tpu.memory_space<hbm>>
        %dma_start3A_75 = arith.constant 0 : i32
        %dma_start3A_76 = tpu.memref_slice %arg2[%add3A_65, %dma_start3A_75] : memref<8192x512xf32, #tpu.memory_space<hbm>> -> memref<64x512xf32, #tpu.memory_space<hbm>>
        tpu.enqueue_dma source(%dma_start3A_76 : memref<64x512xf32, #tpu.memory_space<hbm>>) target(%arg6 : memref<64x512xf32, #tpu.memory_space<vmem>>) target_semaphore(%run_scoped3A : memref<!tpu.dma_semaphore, #tpu.memory_space<semaphore_mem>>)
        %dma_wait3A = arith.constant 0 : i32
        %dma_wait3A_77 = tpu.memref_slice %arg2[%add3A_65, %dma_wait3A] : memref<8192x512xf32, #tpu.memory_space<hbm>> -> memref<64x512xf32, #tpu.memory_space<hbm>>
        %dma_wait3A_78 = arith.constant 0 : i32
        %dma_wait3A_79 = tpu.memref_slice %arg2[%add3A_65, %dma_wait3A_78] : memref<8192x512xf32, #tpu.memory_space<hbm>> -> memref<64x512xf32, #tpu.memory_space<hbm>>
        tpu.wait_dma2 semaphore(%run_scoped3A : memref<!tpu.dma_semaphore, #tpu.memory_space<semaphore_mem>>) src(%dma_wait3A_79 : memref<64x512xf32, #tpu.memory_space<hbm>>) dst(%arg6 : memref<64x512xf32, #tpu.memory_space<vmem>>)
        tpu.yield
      }) : () -> ()
      %scan3A_66 = arith.constant 0 : i32
      %scan3A_67 = arith.constant 0 : i32
      %scan3A_68 = arith.constant 64 : i32
      %scan3A_69 = arith.addi %scan3A_67, %scan3A_68 : i32
      %scan3A_70 = arith.constant 1 : i32
      %scan3A_71 = scf.for %scan3A_74 = %scan3A_67 to %scan3A_69 step %scan3A_70 iter_args(%scan3A_75 = %scan3A_66) -> (i32)  : i32 {
        %mul3A_76 = arith.constant 64 : i32
        %mul3A_77 = arith.muli %scan3A_59, %mul3A_76 : i32
        %add3A_78 = arith.addi %mul3A_77, %scan3A_74 : i32
        %mul3A_79 = arith.constant 3 : i32
        %mul3A_80 = arith.muli %add3A_78, %mul3A_79 : i32
        %get3A = arith.index_cast %mul3A_80 : i32 to index
        %get3A_81 = tpu.vector_load %arg7[%get3A] {strides = array<i32>} : memref<784xf32, #tpu.memory_space<vmem>>, vector<16xf32>,
        %slice3A = vector.extract_strided_slice %get3A_81 {offsets = [0], sizes = [1], strides = [1]} : vector<16xf32> to vector<1xf32>
        %squeeze3A = vector.extract %slice3A[0] : f32 from vector<1xf32>
        %broadcast_in_dim3A_82 = vector.broadcast %squeeze3A : f32 to vector<16xf32>
        %slice3A_83 = vector.extract_strided_slice %get3A_81 {offsets = [1], sizes = [1], strides = [1]} : vector<16xf32> to vector<1xf32>
        %squeeze3A_84 = vector.extract %slice3A_83[0] : f32 from vector<1xf32>
        %broadcast_in_dim3A_85 = vector.broadcast %squeeze3A_84 : f32 to vector<16xf32>
        %slice3A_86 = vector.extract_strided_slice %get3A_81 {offsets = [2], sizes = [1], strides = [1]} : vector<16xf32> to vector<1xf32>
        %squeeze3A_87 = vector.extract %slice3A_86[0] : f32 from vector<1xf32>
        %broadcast_in_dim3A_88 = vector.broadcast %squeeze3A_87 : f32 to vector<16xf32>
        %scan3A_89 = arith.constant 0 : i32
        %scan3A_90 = arith.constant 0 : i32
        %scan3A_91 = arith.constant 32 : i32
        %scan3A_92 = arith.addi %scan3A_90, %scan3A_91 : i32
        %scan3A_93 = arith.constant 1 : i32
        %scan3A_94 = scf.for %scan3A_186 = %scan3A_90 to %scan3A_92 step %scan3A_93 iter_args(%scan3A_187 = %scan3A_89) -> (i32)  : i32 {
          %mul3A_188 = arith.constant 16 : i32
          %mul3A_189 = arith.muli %scan3A_186, %mul3A_188 : i32
          %get3A_190 = arith.index_cast %scan3A_74 : i32 to index
          %get3A_191 = arith.index_cast %mul3A_189 : i32 to index
          %get3A_192 = tpu.vector_load %arg6[%get3A_190, %get3A_191] {strides = array<i32>} : memref<64x512xf32, #tpu.memory_space<vmem>>, vector<16xf32>,
          %mul3A_193 = arith.constant 16 : i32
          %mul3A_194 = arith.muli %scan3A_186, %mul3A_193 : i32
          %get3A_195 = arith.index_cast %mul3A_194 : i32 to index
          %get3A_196 = tpu.vector_load %arg8[%get3A_195] {strides = array<i32>} : memref<1536xf32, #tpu.memory_space<vmem>>, vector<16xf32>,
          %sub3A_197 = arith.subf %get3A_196, %broadcast_in_dim3A_82 : vector<16xf32>
          %mul3A_198 = arith.constant 16 : i32
          %mul3A_199 = arith.muli %scan3A_186, %mul3A_198 : i32
          %add3A_200 = arith.constant 512 : i32
          %add3A_201 = arith.addi %add3A_200, %mul3A_199 : i32
          %get3A_202 = arith.index_cast %add3A_201 : i32 to index
          %get3A_203 = tpu.vector_load %arg8[%get3A_202] {strides = array<i32>} : memref<1536xf32, #tpu.memory_space<vmem>>, vector<16xf32>,
          %sub3A_204 = arith.subf %get3A_203, %broadcast_in_dim3A_85 : vector<16xf32>
          %mul3A_205 = arith.constant 16 : i32
          %mul3A_206 = arith.muli %scan3A_186, %mul3A_205 : i32
          %add3A_207 = arith.constant 1024 : i32
          %add3A_208 = arith.addi %add3A_207, %mul3A_206 : i32
          %get3A_209 = arith.index_cast %add3A_208 : i32 to index
          %get3A_210 = tpu.vector_load %arg8[%get3A_209] {strides = array<i32>} : memref<1536xf32, #tpu.memory_space<vmem>>, vector<16xf32>,
          %sub3A_211 = arith.subf %get3A_210, %broadcast_in_dim3A_88 : vector<16xf32>
          %mul3A_212 = arith.constant 4.000000e+00 : f32
          %mul3A_213 = vector.broadcast %mul3A_212 : f32 to vector<16xf32>
          %mul3A_214 = arith.mulf %sub3A_197, %mul3A_213 : vector<16xf32>
          %add3A_215 = arith.constant 0x4B400000 : f32
          %add3A_216 = vector.broadcast %add3A_215 : f32 to vector<16xf32>
          %add3A_217 = arith.addf %mul3A_214, %add3A_216 : vector<16xf32>
          %sub3A_218 = arith.constant 0x4B400000 : f32
          %sub3A_219 = vector.broadcast %sub3A_218 : f32 to vector<16xf32>
          %sub3A_220 = arith.subf %add3A_217, %sub3A_219 : vector<16xf32>
          %mul3A_221 = arith.constant 4.000000e+00 : f32
          %mul3A_222 = vector.broadcast %mul3A_221 : f32 to vector<16xf32>
          %mul3A_223 = arith.mulf %sub3A_204, %mul3A_222 : vector<16xf32>
          %add3A_224 = arith.constant 0x4B400000 : f32
          %add3A_225 = vector.broadcast %add3A_224 : f32 to vector<16xf32>
          %add3A_226 = arith.addf %mul3A_223, %add3A_225 : vector<16xf32>
          %sub3A_227 = arith.constant 0x4B400000 : f32
          %sub3A_228 = vector.broadcast %sub3A_227 : f32 to vector<16xf32>
          %sub3A_229 = arith.subf %add3A_226, %sub3A_228 : vector<16xf32>
          %mul3A_230 = arith.constant 4.000000e+00 : f32
          %mul3A_231 = vector.broadcast %mul3A_230 : f32 to vector<16xf32>
          %mul3A_232 = arith.mulf %sub3A_211, %mul3A_231 : vector<16xf32>
          %add3A_233 = arith.constant 0x4B400000 : f32
          %add3A_234 = vector.broadcast %add3A_233 : f32 to vector<16xf32>
          %add3A_235 = arith.addf %mul3A_232, %add3A_234 : vector<16xf32>
          %sub3A_236 = arith.constant 0x4B400000 : f32
          %sub3A_237 = vector.broadcast %sub3A_236 : f32 to vector<16xf32>
          %sub3A_238 = arith.subf %add3A_235, %sub3A_237 : vector<16xf32>
          %abs3A = math.absf %sub3A_220 : vector<16xf32>
          %le3A = arith.constant 1.000000e+00 : f32
          %le3A_239 = vector.broadcast %le3A : f32 to vector<16xf32>
          %le3A_240 = arith.cmpf ole, %abs3A, %le3A_239 : vector<16xf32>
          %abs3A_241 = math.absf %sub3A_229 : vector<16xf32>
          %le3A_242 = arith.constant 1.000000e+00 : f32
          %le3A_243 = vector.broadcast %le3A_242 : f32 to vector<16xf32>
          %le3A_244 = arith.cmpf ole, %abs3A_241, %le3A_243 : vector<16xf32>
          %and3A_245 = arith.andi %le3A_240, %le3A_244 : vector<16xi1>
          %abs3A_246 = math.absf %sub3A_238 : vector<16xf32>
          %le3A_247 = arith.constant 1.000000e+00 : f32
          %le3A_248 = vector.broadcast %le3A_247 : f32 to vector<16xf32>
          %le3A_249 = arith.cmpf ole, %abs3A_246, %le3A_248 : vector<16xf32>
          %and3A_250 = arith.andi %and3A_245, %le3A_249 : vector<16xi1>
          %mul3A_251 = arith.constant 9.000000e+00 : f32
          %mul3A_252 = vector.broadcast %mul3A_251 : f32 to vector<16xf32>
          %mul3A_253 = arith.mulf %sub3A_220, %mul3A_252 : vector<16xf32>
          %mul3A_254 = arith.constant 3.000000e+00 : f32
          %mul3A_255 = vector.broadcast %mul3A_254 : f32 to vector<16xf32>
          %mul3A_256 = arith.mulf %sub3A_229, %mul3A_255 : vector<16xf32>
          %add3A_257 = arith.addf %mul3A_253, %mul3A_256 : vector<16xf32>
          %add3A_258 = arith.addf %add3A_257, %sub3A_238 : vector<16xf32>
          %add3A_259 = arith.constant 1.300000e+01 : f32
          %add3A_260 = vector.broadcast %add3A_259 : f32 to vector<16xf32>
          %add3A_261 = arith.addf %add3A_258, %add3A_260 : vector<16xf32>
          %jit3A_262 = arith.constant 0.000000e+00 : f32
          %broadcast_in_dim3A_263 = vector.broadcast %jit3A_262 : f32 to vector<16xf32>
          %select_n3A_264 = arith.select %and3A_250, %add3A_261, %broadcast_in_dim3A_263 : vector<16xi1>, vector<16xf32>
          %convert_element_type3A = arith.fptosi %select_n3A_264 : vector<16xf32> to vector<16xi32>
          tpu.vector_store_idx %arg10[%convert_element_type3A], %get3A_192 masked %and3A_250 {add = true} : memref<96xf32, #tpu.memory_space<vmem>>[vector<16xi32>], vector<16xf32>, vector<16xi1>
          tpu.vector_store_idx %arg11[%convert_element_type3A], %broadcast_in_dim3A_27 masked %and3A_250 {add = true} : memref<96xf32, #tpu.memory_space<vmem>>[vector<16xi32>], vector<16xf32>, vector<16xi1>
          %mul3A_265 = arith.constant 2.000000e+00 : f32
          %mul3A_266 = vector.broadcast %mul3A_265 : f32 to vector<16xf32>
          %mul3A_267 = arith.mulf %sub3A_197, %mul3A_266 : vector<16xf32>
          %add3A_268 = arith.constant 0x4B400000 : f32
          %add3A_269 = vector.broadcast %add3A_268 : f32 to vector<16xf32>
          %add3A_270 = arith.addf %mul3A_267, %add3A_269 : vector<16xf32>
          %sub3A_271 = arith.constant 0x4B400000 : f32
          %sub3A_272 = vector.broadcast %sub3A_271 : f32 to vector<16xf32>
          %sub3A_273 = arith.subf %add3A_270, %sub3A_272 : vector<16xf32>
          %mul3A_274 = arith.constant 2.000000e+00 : f32
          %mul3A_275 = vector.broadcast %mul3A_274 : f32 to vector<16xf32>
          %mul3A_276 = arith.mulf %sub3A_204, %mul3A_275 : vector<16xf32>
          %add3A_277 = arith.constant 0x4B400000 : f32
          %add3A_278 = vector.broadcast %add3A_277 : f32 to vector<16xf32>
          %add3A_279 = arith.addf %mul3A_276, %add3A_278 : vector<16xf32>
          %sub3A_280 = arith.constant 0x4B400000 : f32
          %sub3A_281 = vector.broadcast %sub3A_280 : f32 to vector<16xf32>
          %sub3A_282 = arith.subf %add3A_279, %sub3A_281 : vector<16xf32>
          %mul3A_283 = arith.constant 2.000000e+00 : f32
          %mul3A_284 = vector.broadcast %mul3A_283 : f32 to vector<16xf32>
          %mul3A_285 = arith.mulf %sub3A_211, %mul3A_284 : vector<16xf32>
          %add3A_286 = arith.constant 0x4B400000 : f32
          %add3A_287 = vector.broadcast %add3A_286 : f32 to vector<16xf32>
          %add3A_288 = arith.addf %mul3A_285, %add3A_287 : vector<16xf32>
          %sub3A_289 = arith.constant 0x4B400000 : f32
          %sub3A_290 = vector.broadcast %sub3A_289 : f32 to vector<16xf32>
          %sub3A_291 = arith.subf %add3A_288, %sub3A_290 : vector<16xf32>
          %abs3A_292 = math.absf %sub3A_273 : vector<16xf32>
          %le3A_293 = arith.constant 1.000000e+00 : f32
          %le3A_294 = vector.broadcast %le3A_293 : f32 to vector<16xf32>
          %le3A_295 = arith.cmpf ole, %abs3A_292, %le3A_294 : vector<16xf32>
          %abs3A_296 = math.absf %sub3A_282 : vector<16xf32>
          %le3A_297 = arith.constant 1.000000e+00 : f32
          %le3A_298 = vector.broadcast %le3A_297 : f32 to vector<16xf32>
          %le3A_299 = arith.cmpf ole, %abs3A_296, %le3A_298 : vector<16xf32>
          %and3A_300 = arith.andi %le3A_295, %le3A_299 : vector<16xi1>
          %abs3A_301 = math.absf %sub3A_291 : vector<16xf32>
          %le3A_302 = arith.constant 1.000000e+00 : f32
          %le3A_303 = vector.broadcast %le3A_302 : f32 to vector<16xf32>
          %le3A_304 = arith.cmpf ole, %abs3A_301, %le3A_303 : vector<16xf32>
          %and3A_305 = arith.andi %and3A_300, %le3A_304 : vector<16xi1>
          %mul3A_306 = arith.constant 9.000000e+00 : f32
          %mul3A_307 = vector.broadcast %mul3A_306 : f32 to vector<16xf32>
          %mul3A_308 = arith.mulf %sub3A_273, %mul3A_307 : vector<16xf32>
          %mul3A_309 = arith.constant 3.000000e+00 : f32
          %mul3A_310 = vector.broadcast %mul3A_309 : f32 to vector<16xf32>
          %mul3A_311 = arith.mulf %sub3A_282, %mul3A_310 : vector<16xf32>
          %add3A_312 = arith.addf %mul3A_308, %mul3A_311 : vector<16xf32>
          %add3A_313 = arith.addf %add3A_312, %sub3A_291 : vector<16xf32>
          %add3A_314 = arith.constant 4.000000e+01 : f32
          %add3A_315 = vector.broadcast %add3A_314 : f32 to vector<16xf32>
          %add3A_316 = arith.addf %add3A_313, %add3A_315 : vector<16xf32>
          %jit3A_317 = arith.constant 0.000000e+00 : f32
          %broadcast_in_dim3A_318 = vector.broadcast %jit3A_317 : f32 to vector<16xf32>
          %select_n3A_319 = arith.select %and3A_305, %add3A_316, %broadcast_in_dim3A_318 : vector<16xi1>, vector<16xf32>
          %convert_element_type3A_320 = arith.fptosi %select_n3A_319 : vector<16xf32> to vector<16xi32>
          tpu.vector_store_idx %arg10[%convert_element_type3A_320], %get3A_192 masked %and3A_305 {add = true} : memref<96xf32, #tpu.memory_space<vmem>>[vector<16xi32>], vector<16xf32>, vector<16xi1>
          tpu.vector_store_idx %arg11[%convert_element_type3A_320], %broadcast_in_dim3A_27 masked %and3A_305 {add = true} : memref<96xf32, #tpu.memory_space<vmem>>[vector<16xi32>], vector<16xf32>, vector<16xi1>
          %mul3A_321 = arith.constant 1.000000e+00 : f32
          %mul3A_322 = vector.broadcast %mul3A_321 : f32 to vector<16xf32>
          %mul3A_323 = arith.mulf %sub3A_197, %mul3A_322 : vector<16xf32>
          %add3A_324 = arith.constant 0x4B400000 : f32
          %add3A_325 = vector.broadcast %add3A_324 : f32 to vector<16xf32>
          %add3A_326 = arith.addf %mul3A_323, %add3A_325 : vector<16xf32>
          %sub3A_327 = arith.constant 0x4B400000 : f32
          %sub3A_328 = vector.broadcast %sub3A_327 : f32 to vector<16xf32>
          %sub3A_329 = arith.subf %add3A_326, %sub3A_328 : vector<16xf32>
          %mul3A_330 = arith.constant 1.000000e+00 : f32
          %mul3A_331 = vector.broadcast %mul3A_330 : f32 to vector<16xf32>
          %mul3A_332 = arith.mulf %sub3A_204, %mul3A_331 : vector<16xf32>
          %add3A_333 = arith.constant 0x4B400000 : f32
          %add3A_334 = vector.broadcast %add3A_333 : f32 to vector<16xf32>
          %add3A_335 = arith.addf %mul3A_332, %add3A_334 : vector<16xf32>
          %sub3A_336 = arith.constant 0x4B400000 : f32
          %sub3A_337 = vector.broadcast %sub3A_336 : f32 to vector<16xf32>
          %sub3A_338 = arith.subf %add3A_335, %sub3A_337 : vector<16xf32>
          %mul3A_339 = arith.constant 1.000000e+00 : f32
          %mul3A_340 = vector.broadcast %mul3A_339 : f32 to vector<16xf32>
          %mul3A_341 = arith.mulf %sub3A_211, %mul3A_340 : vector<16xf32>
          %add3A_342 = arith.constant 0x4B400000 : f32
          %add3A_343 = vector.broadcast %add3A_342 : f32 to vector<16xf32>
          %add3A_344 = arith.addf %mul3A_341, %add3A_343 : vector<16xf32>
          %sub3A_345 = arith.constant 0x4B400000 : f32
          %sub3A_346 = vector.broadcast %sub3A_345 : f32 to vector<16xf32>
          %sub3A_347 = arith.subf %add3A_344, %sub3A_346 : vector<16xf32>
          %abs3A_348 = math.absf %sub3A_329 : vector<16xf32>
          %le3A_349 = arith.constant 1.000000e+00 : f32
          %le3A_350 = vector.broadcast %le3A_349 : f32 to vector<16xf32>
          %le3A_351 = arith.cmpf ole, %abs3A_348, %le3A_350 : vector<16xf32>
          %abs3A_352 = math.absf %sub3A_338 : vector<16xf32>
          %le3A_353 = arith.constant 1.000000e+00 : f32
          %le3A_354 = vector.broadcast %le3A_353 : f32 to vector<16xf32>
          %le3A_355 = arith.cmpf ole, %abs3A_352, %le3A_354 : vector<16xf32>
          %and3A_356 = arith.andi %le3A_351, %le3A_355 : vector<16xi1>
          %abs3A_357 = math.absf %sub3A_347 : vector<16xf32>
          %le3A_358 = arith.constant 1.000000e+00 : f32
          %le3A_359 = vector.broadcast %le3A_358 : f32 to vector<16xf32>
          %le3A_360 = arith.cmpf ole, %abs3A_357, %le3A_359 : vector<16xf32>
          %and3A_361 = arith.andi %and3A_356, %le3A_360 : vector<16xi1>
          %mul3A_362 = arith.constant 9.000000e+00 : f32
          %mul3A_363 = vector.broadcast %mul3A_362 : f32 to vector<16xf32>
          %mul3A_364 = arith.mulf %sub3A_329, %mul3A_363 : vector<16xf32>
          %mul3A_365 = arith.constant 3.000000e+00 : f32
          %mul3A_366 = vector.broadcast %mul3A_365 : f32 to vector<16xf32>
          %mul3A_367 = arith.mulf %sub3A_338, %mul3A_366 : vector<16xf32>
          %add3A_368 = arith.addf %mul3A_364, %mul3A_367 : vector<16xf32>
          %add3A_369 = arith.addf %add3A_368, %sub3A_347 : vector<16xf32>
          %add3A_370 = arith.constant 6.700000e+01 : f32
          %add3A_371 = vector.broadcast %add3A_370 : f32 to vector<16xf32>
          %add3A_372 = arith.addf %add3A_369, %add3A_371 : vector<16xf32>
          %jit3A_373 = arith.constant 0.000000e+00 : f32
          %broadcast_in_dim3A_374 = vector.broadcast %jit3A_373 : f32 to vector<16xf32>
          %select_n3A_375 = arith.select %and3A_361, %add3A_372, %broadcast_in_dim3A_374 : vector<16xi1>, vector<16xf32>
          %convert_element_type3A_376 = arith.fptosi %select_n3A_375 : vector<16xf32> to vector<16xi32>
          tpu.vector_store_idx %arg10[%convert_element_type3A_376], %get3A_192 masked %and3A_361 {add = true} : memref<96xf32, #tpu.memory_space<vmem>>[vector<16xi32>], vector<16xf32>, vector<16xi1>
          tpu.vector_store_idx %arg11[%convert_element_type3A_376], %broadcast_in_dim3A_27 masked %and3A_361 {add = true} : memref<96xf32, #tpu.memory_space<vmem>>[vector<16xi32>], vector<16xf32>, vector<16xi1>
          %scan3A_377 = arith.constant 0 : i32
          scf.yield %scan3A_377 : i32
        }
        %scan3A_95 = arith.constant 32 : i32
        %get3A_96 = arith.constant 0 : index
        %get3A_97 = tpu.vector_load %arg10[%get3A_96] {strides = array<i32>} : memref<96xf32, #tpu.memory_space<vmem>>, vector<16xf32>,
        %get3A_98 = arith.constant 0 : index
        %get3A_99 = tpu.vector_load %arg11[%get3A_98] {strides = array<i32>} : memref<96xf32, #tpu.memory_space<vmem>>, vector<16xf32>,
        %max3A = arith.constant 1.000000e+00 : f32
        %max3A_100 = vector.broadcast %max3A : f32 to vector<16xf32>
        %max3A_101 = arith.maximumf %get3A_99, %max3A_100 : vector<16xf32>
        %div3A_102 = arith.divf %get3A_97, %max3A_101 : vector<16xf32>
        %swap3A_103 = arith.index_cast %scan3A_74 : i32 to index
        %swap3A_104 = arith.constant 0 : index
        %swap3A_105 = tpu.vector_load %arg9[%swap3A_103, %swap3A_104] {strides = array<i32>} : memref<64x96xf32, #tpu.memory_space<vmem>>, vector<16xf32>,
        tpu.vector_store %arg9[%swap3A_103, %swap3A_104], %div3A_102 {strides = array<i32>} : memref<64x96xf32, #tpu.memory_space<vmem>>, vector<16xf32>,
        %swap3A_106 = arith.constant 0 : index
        %swap3A_107 = tpu.vector_load %arg10[%swap3A_106] {strides = array<i32>} : memref<96xf32, #tpu.memory_space<vmem>>, vector<16xf32>,
        tpu.vector_store %arg10[%swap3A_106], %broadcast_in_dim3A_29 {strides = array<i32>} : memref<96xf32, #tpu.memory_space<vmem>>, vector<16xf32>,
        %swap3A_108 = arith.constant 0 : index
        %swap3A_109 = tpu.vector_load %arg11[%swap3A_108] {strides = array<i32>} : memref<96xf32, #tpu.memory_space<vmem>>, vector<16xf32>,
        tpu.vector_store %arg11[%swap3A_108], %broadcast_in_dim3A_29 {strides = array<i32>} : memref<96xf32, #tpu.memory_space<vmem>>, vector<16xf32>,
        %get3A_110 = arith.constant 16 : index
        %get3A_111 = tpu.vector_load %arg10[%get3A_110] {strides = array<i32>} : memref<96xf32, #tpu.memory_space<vmem>>, vector<16xf32>,
        %get3A_112 = arith.constant 16 : index
        %get3A_113 = tpu.vector_load %arg11[%get3A_112] {strides = array<i32>} : memref<96xf32, #tpu.memory_space<vmem>>, vector<16xf32>,
        %max3A_114 = arith.constant 1.000000e+00 : f32
        %max3A_115 = vector.broadcast %max3A_114 : f32 to vector<16xf32>
        %max3A_116 = arith.maximumf %get3A_113, %max3A_115 : vector<16xf32>
        %div3A_117 = arith.divf %get3A_111, %max3A_116 : vector<16xf32>
        %swap3A_118 = arith.index_cast %scan3A_74 : i32 to index
        %swap3A_119 = arith.constant 16 : index
        %swap3A_120 = tpu.vector_load %arg9[%swap3A_118, %swap3A_119] {strides = array<i32>} : memref<64x96xf32, #tpu.memory_space<vmem>>, vector<16xf32>,
        tpu.vector_store %arg9[%swap3A_118, %swap3A_119], %div3A_117 {strides = array<i32>} : memref<64x96xf32, #tpu.memory_space<vmem>>, vector<16xf32>,
        %swap3A_121 = arith.constant 16 : index
        %swap3A_122 = tpu.vector_load %arg10[%swap3A_121] {strides = array<i32>} : memref<96xf32, #tpu.memory_space<vmem>>, vector<16xf32>,
        tpu.vector_store %arg10[%swap3A_121], %broadcast_in_dim3A_29 {strides = array<i32>} : memref<96xf32, #tpu.memory_space<vmem>>, vector<16xf32>,
        %swap3A_123 = arith.constant 16 : index
        %swap3A_124 = tpu.vector_load %arg11[%swap3A_123] {strides = array<i32>} : memref<96xf32, #tpu.memory_space<vmem>>, vector<16xf32>,
        tpu.vector_store %arg11[%swap3A_123], %broadcast_in_dim3A_29 {strides = array<i32>} : memref<96xf32, #tpu.memory_space<vmem>>, vector<16xf32>,
        %get3A_125 = arith.constant 32 : index
        %get3A_126 = tpu.vector_load %arg10[%get3A_125] {strides = array<i32>} : memref<96xf32, #tpu.memory_space<vmem>>, vector<16xf32>,
        %get3A_127 = arith.constant 32 : index
        %get3A_128 = tpu.vector_load %arg11[%get3A_127] {strides = array<i32>} : memref<96xf32, #tpu.memory_space<vmem>>, vector<16xf32>,
        %max3A_129 = arith.constant 1.000000e+00 : f32
        %max3A_130 = vector.broadcast %max3A_129 : f32 to vector<16xf32>
        %max3A_131 = arith.maximumf %get3A_128, %max3A_130 : vector<16xf32>
        %div3A_132 = arith.divf %get3A_126, %max3A_131 : vector<16xf32>
        %swap3A_133 = arith.index_cast %scan3A_74 : i32 to index
        %swap3A_134 = arith.constant 32 : index
        %swap3A_135 = tpu.vector_load %arg9[%swap3A_133, %swap3A_134] {strides = array<i32>} : memref<64x96xf32, #tpu.memory_space<vmem>>, vector<16xf32>,
        tpu.vector_store %arg9[%swap3A_133, %swap3A_134], %div3A_132 {strides = array<i32>} : memref<64x96xf32, #tpu.memory_space<vmem>>, vector<16xf32>,
        %swap3A_136 = arith.constant 32 : index
        %swap3A_137 = tpu.vector_load %arg10[%swap3A_136] {strides = array<i32>} : memref<96xf32, #tpu.memory_space<vmem>>, vector<16xf32>,
        tpu.vector_store %arg10[%swap3A_136], %broadcast_in_dim3A_29 {strides = array<i32>} : memref<96xf32, #tpu.memory_space<vmem>>, vector<16xf32>,
        %swap3A_138 = arith.constant 32 : index
        %swap3A_139 = tpu.vector_load %arg11[%swap3A_138] {strides = array<i32>} : memref<96xf32, #tpu.memory_space<vmem>>, vector<16xf32>,
        tpu.vector_store %arg11[%swap3A_138], %broadcast_in_dim3A_29 {strides = array<i32>} : memref<96xf32, #tpu.memory_space<vmem>>, vector<16xf32>,
        %get3A_140 = arith.constant 48 : index
        %get3A_141 = tpu.vector_load %arg10[%get3A_140] {strides = array<i32>} : memref<96xf32, #tpu.memory_space<vmem>>, vector<16xf32>,
        %get3A_142 = arith.constant 48 : index
        %get3A_143 = tpu.vector_load %arg11[%get3A_142] {strides = array<i32>} : memref<96xf32, #tpu.memory_space<vmem>>, vector<16xf32>,
        %max3A_144 = arith.constant 1.000000e+00 : f32
        %max3A_145 = vector.broadcast %max3A_144 : f32 to vector<16xf32>
        %max3A_146 = arith.maximumf %get3A_143, %max3A_145 : vector<16xf32>
        %div3A_147 = arith.divf %get3A_141, %max3A_146 : vector<16xf32>
        %swap3A_148 = arith.index_cast %scan3A_74 : i32 to index
        %swap3A_149 = arith.constant 48 : index
        %swap3A_150 = tpu.vector_load %arg9[%swap3A_148, %swap3A_149] {strides = array<i32>} : memref<64x96xf32, #tpu.memory_space<vmem>>, vector<16xf32>,
        tpu.vector_store %arg9[%swap3A_148, %swap3A_149], %div3A_147 {strides = array<i32>} : memref<64x96xf32, #tpu.memory_space<vmem>>, vector<16xf32>,
        %swap3A_151 = arith.constant 48 : index
        %swap3A_152 = tpu.vector_load %arg10[%swap3A_151] {strides = array<i32>} : memref<96xf32, #tpu.memory_space<vmem>>, vector<16xf32>,
        tpu.vector_store %arg10[%swap3A_151], %broadcast_in_dim3A_29 {strides = array<i32>} : memref<96xf32, #tpu.memory_space<vmem>>, vector<16xf32>,
        %swap3A_153 = arith.constant 48 : index
        %swap3A_154 = tpu.vector_load %arg11[%swap3A_153] {strides = array<i32>} : memref<96xf32, #tpu.memory_space<vmem>>, vector<16xf32>,
        tpu.vector_store %arg11[%swap3A_153], %broadcast_in_dim3A_29 {strides = array<i32>} : memref<96xf32, #tpu.memory_space<vmem>>, vector<16xf32>,
        %get3A_155 = arith.constant 64 : index
        %get3A_156 = tpu.vector_load %arg10[%get3A_155] {strides = array<i32>} : memref<96xf32, #tpu.memory_space<vmem>>, vector<16xf32>,
        %get3A_157 = arith.constant 64 : index
        %get3A_158 = tpu.vector_load %arg11[%get3A_157] {strides = array<i32>} : memref<96xf32, #tpu.memory_space<vmem>>, vector<16xf32>,
        %max3A_159 = arith.constant 1.000000e+00 : f32
        %max3A_160 = vector.broadcast %max3A_159 : f32 to vector<16xf32>
        %max3A_161 = arith.maximumf %get3A_158, %max3A_160 : vector<16xf32>
        %div3A_162 = arith.divf %get3A_156, %max3A_161 : vector<16xf32>
        %swap3A_163 = arith.index_cast %scan3A_74 : i32 to index
        %swap3A_164 = arith.constant 64 : index
        %swap3A_165 = tpu.vector_load %arg9[%swap3A_163, %swap3A_164] {strides = array<i32>} : memref<64x96xf32, #tpu.memory_space<vmem>>, vector<16xf32>,
        tpu.vector_store %arg9[%swap3A_163, %swap3A_164], %div3A_162 {strides = array<i32>} : memref<64x96xf32, #tpu.memory_space<vmem>>, vector<16xf32>,
        %swap3A_166 = arith.constant 64 : index
        %swap3A_167 = tpu.vector_load %arg10[%swap3A_166] {strides = array<i32>} : memref<96xf32, #tpu.memory_space<vmem>>, vector<16xf32>,
        tpu.vector_store %arg10[%swap3A_166], %broadcast_in_dim3A_29 {strides = array<i32>} : memref<96xf32, #tpu.memory_space<vmem>>, vector<16xf32>,
        %swap3A_168 = arith.constant 64 : index
        %swap3A_169 = tpu.vector_load %arg11[%swap3A_168] {strides = array<i32>} : memref<96xf32, #tpu.memory_space<vmem>>, vector<16xf32>,
        tpu.vector_store %arg11[%swap3A_168], %broadcast_in_dim3A_29 {strides = array<i32>} : memref<96xf32, #tpu.memory_space<vmem>>, vector<16xf32>,
        %get3A_170 = arith.constant 80 : index
        %get3A_171 = tpu.vector_load %arg10[%get3A_170] {strides = array<i32>} : memref<96xf32, #tpu.memory_space<vmem>>, vector<16xf32>,
        %get3A_172 = arith.constant 80 : index
        %get3A_173 = tpu.vector_load %arg11[%get3A_172] {strides = array<i32>} : memref<96xf32, #tpu.memory_space<vmem>>, vector<16xf32>,
        %max3A_174 = arith.constant 1.000000e+00 : f32
        %max3A_175 = vector.broadcast %max3A_174 : f32 to vector<16xf32>
        %max3A_176 = arith.maximumf %get3A_173, %max3A_175 : vector<16xf32>
        %div3A_177 = arith.divf %get3A_171, %max3A_176 : vector<16xf32>
        %swap3A_178 = arith.index_cast %scan3A_74 : i32 to index
        %swap3A_179 = arith.constant 80 : index
        %swap3A_180 = tpu.vector_load %arg9[%swap3A_178, %swap3A_179] {strides = array<i32>} : memref<64x96xf32, #tpu.memory_space<vmem>>, vector<16xf32>,
        tpu.vector_store %arg9[%swap3A_178, %swap3A_179], %div3A_177 {strides = array<i32>} : memref<64x96xf32, #tpu.memory_space<vmem>>, vector<16xf32>,
        %swap3A_181 = arith.constant 80 : index
        %swap3A_182 = tpu.vector_load %arg10[%swap3A_181] {strides = array<i32>} : memref<96xf32, #tpu.memory_space<vmem>>, vector<16xf32>,
        tpu.vector_store %arg10[%swap3A_181], %broadcast_in_dim3A_29 {strides = array<i32>} : memref<96xf32, #tpu.memory_space<vmem>>, vector<16xf32>,
        %swap3A_183 = arith.constant 80 : index
        %swap3A_184 = tpu.vector_load %arg11[%swap3A_183] {strides = array<i32>} : memref<96xf32, #tpu.memory_space<vmem>>, vector<16xf32>,
        tpu.vector_store %arg11[%swap3A_183], %broadcast_in_dim3A_29 {strides = array<i32>} : memref<96xf32, #tpu.memory_space<vmem>>, vector<16xf32>,
        %scan3A_185 = arith.constant 0 : i32
        scf.yield %scan3A_185 : i32
      }
      %scan3A_72 = arith.constant 64 : i32
      "tpu.region"() ({
        %run_scoped3A = tpu.sem_alloc : memref<!tpu.dma_semaphore, #tpu.memory_space<semaphore_mem>>
        %dma_start3A = arith.constant 0 : i32
        %dma_start3A_74 = tpu.memref_slice %arg5[%add3A_65, %dma_start3A] : memref<8192x96xf32, #tpu.memory_space<hbm>> -> memref<64x96xf32, #tpu.memory_space<hbm>>
        %dma_start3A_75 = arith.constant 0 : i32
        %dma_start3A_76 = tpu.memref_slice %arg5[%add3A_65, %dma_start3A_75] : memref<8192x96xf32, #tpu.memory_space<hbm>> -> memref<64x96xf32, #tpu.memory_space<hbm>>
        tpu.enqueue_dma source(%arg9 : memref<64x96xf32, #tpu.memory_space<vmem>>) target(%dma_start3A_76 : memref<64x96xf32, #tpu.memory_space<hbm>>) target_semaphore(%run_scoped3A : memref<!tpu.dma_semaphore, #tpu.memory_space<semaphore_mem>>)
        %dma_wait3A = arith.constant 0 : i32
        %dma_wait3A_77 = tpu.memref_slice %arg5[%add3A_65, %dma_wait3A] : memref<8192x96xf32, #tpu.memory_space<hbm>> -> memref<64x96xf32, #tpu.memory_space<hbm>>
        %dma_wait3A_78 = arith.constant 0 : i32
        %dma_wait3A_79 = tpu.memref_slice %arg5[%add3A_65, %dma_wait3A_78] : memref<8192x96xf32, #tpu.memory_space<hbm>> -> memref<64x96xf32, #tpu.memory_space<hbm>>
        tpu.wait_dma2 semaphore(%run_scoped3A : memref<!tpu.dma_semaphore, #tpu.memory_space<semaphore_mem>>) src(%arg9 : memref<64x96xf32, #tpu.memory_space<vmem>>) dst(%dma_wait3A_79 : memref<64x96xf32, #tpu.memory_space<hbm>>)
        tpu.yield
      }) : () -> ()
      %scan3A_73 = arith.constant 0 : i32
      scf.yield %scan3A_73 : i32
    }
    %scan3A_58 = arith.constant 4 : i32
    return
  }
}

module attributes {stable_mosaic.version = 14 : i64} {
  func.func @_corr_body(%arg0: i32, %arg1: i32, %arg2: memref<1x256x512xf32, #tpu.memory_space<vmem>>, %arg3: memref<1x256x512xf32, #tpu.memory_space<vmem>>, %arg4: memref<1x512x512xf32, #tpu.memory_space<vmem>>) attributes {dimension_semantics = [#tpu.dimension_semantics<arbitrary>, #tpu.dimension_semantics<arbitrary>], iteration_bounds = array<i64: 2, 8>, scalar_prefetch = 0 : i64, scratch_operands = 0 : i64, tpu.core_type = #tpu.core_type<tc>, window_params = [{transform_indices = @transform_0, window_bounds = array<i64: 1, 256, 512>}, {transform_indices = @transform_1, window_bounds = array<i64: 1, 256, 512>}, {transform_indices = @transform_2, window_bounds = array<i64: 1, 512, 512>}]} {
    %get3A = arith.constant 0 : index
    %get3A_0 = arith.constant 0 : index
    %get3A_1 = arith.constant 0 : index
    %get3A_2 = vector.load %arg2[%get3A, %get3A_0, %get3A_1] : memref<1x256x512xf32, #tpu.memory_space<vmem>>, vector<1x256x512xf32>
    %get3A_3 = vector.shape_cast %get3A_2 : vector<1x256x512xf32> to vector<256x512xf32>
    %get3A_4 = arith.constant 0 : index
    %get3A_5 = arith.constant 0 : index
    %get3A_6 = arith.constant 0 : index
    %get3A_7 = vector.load %arg3[%get3A_4, %get3A_5, %get3A_6] : memref<1x256x512xf32, #tpu.memory_space<vmem>>, vector<1x256x512xf32>
    %get3A_8 = vector.shape_cast %get3A_7 : vector<1x256x512xf32> to vector<256x512xf32>
    %dot_general3A = arith.constant dense<0.000000e+00> : vector<512x512xf32>
    %dot_general3A_9 = tpu.matmul %get3A_3, %get3A_8, %dot_general3A {dimension_numbers = #tpu.dot_dimension_numbers<[0], [0], [1], [1], [0, 1, 1, 1], [], []>, precision = #tpu.contract_precision<fp32>, transpose_lhs_hint = false} : vector<256x512xf32>, vector<256x512xf32>, vector<512x512xf32> -> vector<512x512xf32>
    %mul3A = arith.constant 6.250000e-02 : f32
    %mul3A_10 = vector.broadcast %mul3A : f32 to vector<512x512xf32>
    %mul3A_11 = arith.mulf %dot_general3A_9, %mul3A_10 : vector<512x512xf32>
    %swap3A = arith.constant 0 : index
    %swap3A_12 = arith.constant 0 : index
    %swap3A_13 = arith.constant 0 : index
    %swap3A_14 = vector.load %arg4[%swap3A, %swap3A_12, %swap3A_13] : memref<1x512x512xf32, #tpu.memory_space<vmem>>, vector<1x512x512xf32>
    %swap3A_15 = vector.shape_cast %swap3A_14 : vector<1x512x512xf32> to vector<512x512xf32>
    %swap3A_16 = vector.shape_cast %mul3A_11 : vector<512x512xf32> to vector<1x512x512xf32>
    tpu.vector_store %arg4[%swap3A, %swap3A_12, %swap3A_13], %swap3A_16 {strides = array<i32>} : memref<1x512x512xf32, #tpu.memory_space<vmem>>, vector<1x512x512xf32>,
    return
  }
  func.func @transform_0(%arg0: i32, %arg1: i32) -> (i32, i32, i32) {
    %c0_i32 = arith.constant 0 : i32
    %c0_i32_0 = arith.constant 0 : i32
    return %arg0, %c0_i32, %arg1 : i32, i32, i32
  }
  func.func @transform_1(%arg0: i32, %arg1: i32) -> (i32, i32, i32) {
    %c0_i32 = arith.constant 0 : i32
    %c0_i32_0 = arith.constant 0 : i32
    %c0_i32_1 = arith.constant 0 : i32
    return %arg0, %c0_i32, %c0_i32_0 : i32, i32, i32
  }
  func.func @transform_2(%arg0: i32, %arg1: i32) -> (i32, i32, i32) {
    %c0_i32 = arith.constant 0 : i32
    %c0_i32_0 = arith.constant 0 : i32
    return %arg0, %arg1, %c0_i32 : i32, i32, i32
  }
}

module attributes {stable_mosaic.version = 14 : i64} {
  func.func @_stage1_body(%arg0: i32, %arg1: i32, %arg2: memref<1x256x512xf32, #tpu.memory_space<vmem>>, %arg3: memref<1x256x512xf32, #tpu.memory_space<vmem>>, %arg4: memref<1x3x512xf32, #tpu.memory_space<vmem>>, %arg5: memref<1x512x3xf32, #tpu.memory_space<vmem>>, %arg6: memref<64x4xf32, #tpu.memory_space<vmem>>, %arg7: memref<64x1xf32, #tpu.memory_space<vmem>>, %arg8: memref<1x64x512xf32, #tpu.memory_space<vmem>>, %arg9: memref<1x64x512xf32, #tpu.memory_space<vmem>>, %arg10: memref<1x64x1xf32, #tpu.memory_space<vmem>>, %arg11: memref<1x64x1xf32, #tpu.memory_space<vmem>>) attributes {dimension_semantics = [#tpu.dimension_semantics<arbitrary>, #tpu.dimension_semantics<arbitrary>], iteration_bounds = array<i64: 2, 8>, scalar_prefetch = 0 : i64, scratch_operands = 0 : i64, tpu.core_type = #tpu.core_type<tc>, window_params = [{transform_indices = @transform_0, window_bounds = array<i64: 1, 256, 512>}, {transform_indices = @transform_1, window_bounds = array<i64: 1, 256, 512>}, {transform_indices = @transform_2, window_bounds = array<i64: 1, 3, 512>}, {transform_indices = @transform_3, window_bounds = array<i64: 1, 512, 3>}, {pipeline_mode = #tpu.pipeline_mode<synchronous>, transform_indices = @transform_4, window_bounds = array<i64: 64, 4>}, {pipeline_mode = #tpu.pipeline_mode<synchronous>, transform_indices = @transform_5, window_bounds = array<i64: 64, 1>}, {transform_indices = @transform_6, window_bounds = array<i64: 1, 64, 512>}, {transform_indices = @transform_7, window_bounds = array<i64: 1, 64, 512>}, {transform_indices = @transform_8, window_bounds = array<i64: 1, 64, 1>}, {transform_indices = @transform_9, window_bounds = array<i64: 1, 64, 1>}]} {
    %get3A = arith.constant 0 : index
    %get3A_0 = arith.constant 0 : index
    %get3A_1 = arith.constant 0 : index
    %get3A_2 = vector.load %arg2[%get3A, %get3A_0, %get3A_1] : memref<1x256x512xf32, #tpu.memory_space<vmem>>, vector<1x256x512xf32>
    %get3A_3 = vector.shape_cast %get3A_2 : vector<1x256x512xf32> to vector<256x512xf32>
    %get3A_4 = arith.constant 0 : index
    %get3A_5 = arith.constant 0 : index
    %get3A_6 = arith.constant 0 : index
    %get3A_7 = vector.load %arg3[%get3A_4, %get3A_5, %get3A_6] : memref<1x256x512xf32, #tpu.memory_space<vmem>>, vector<1x256x512xf32>
    %get3A_8 = vector.shape_cast %get3A_7 : vector<1x256x512xf32> to vector<256x512xf32>
    %dot_general3A = arith.constant dense<0.000000e+00> : vector<512x512xf32>
    %dot_general3A_9 = tpu.matmul %get3A_8, %get3A_3, %dot_general3A {dimension_numbers = #tpu.dot_dimension_numbers<[0], [0], [1], [1], [0, 1, 1, 1], [], []>, precision = #tpu.contract_precision<fp32>, transpose_lhs_hint = false} : vector<256x512xf32>, vector<256x512xf32>, vector<512x512xf32> -> vector<512x512xf32>
    %mul3A = arith.constant 6.250000e-02 : f32
    %mul3A_10 = vector.broadcast %mul3A : f32 to vector<512x512xf32>
    %mul3A_11 = arith.mulf %dot_general3A_9, %mul3A_10 : vector<512x512xf32>
    %get3A_12 = arith.constant 0 : index
    %get3A_13 = arith.constant 0 : index
    %get3A_14 = arith.constant 0 : index
    %get3A_15 = vector.load %arg4[%get3A_12, %get3A_13, %get3A_14] : memref<1x3x512xf32, #tpu.memory_space<vmem>>, vector<1x1x512xf32>
    %get3A_16 = vector.shape_cast %get3A_15 : vector<1x1x512xf32> to vector<1x512xf32>
    %get3A_17 = arith.constant 0 : index
    %get3A_18 = arith.constant 1 : index
    %get3A_19 = arith.constant 0 : index
    %get3A_20 = vector.load %arg4[%get3A_17, %get3A_18, %get3A_19] : memref<1x3x512xf32, #tpu.memory_space<vmem>>, vector<1x1x512xf32>
    %get3A_21 = vector.shape_cast %get3A_20 : vector<1x1x512xf32> to vector<1x512xf32>
    %get3A_22 = arith.constant 0 : index
    %get3A_23 = arith.constant 2 : index
    %get3A_24 = arith.constant 0 : index
    %get3A_25 = vector.load %arg4[%get3A_22, %get3A_23, %get3A_24] : memref<1x3x512xf32, #tpu.memory_space<vmem>>, vector<1x1x512xf32>
    %get3A_26 = vector.shape_cast %get3A_25 : vector<1x1x512xf32> to vector<1x512xf32>
    %get3A_27 = arith.constant 0 : index
    %get3A_28 = arith.constant 0 : index
    %get3A_29 = arith.constant 0 : index
    %get3A_30 = vector.load %arg5[%get3A_27, %get3A_28, %get3A_29] : memref<1x512x3xf32, #tpu.memory_space<vmem>>, vector<1x512x1xf32>
    %get3A_31 = vector.shape_cast %get3A_30 : vector<1x512x1xf32> to vector<512x1xf32>
    %get3A_32 = arith.constant 0 : index
    %get3A_33 = arith.constant 0 : index
    %get3A_34 = arith.constant 1 : index
    %get3A_35 = vector.load %arg5[%get3A_32, %get3A_33, %get3A_34] : memref<1x512x3xf32, #tpu.memory_space<vmem>>, vector<1x512x1xf32>
    %get3A_36 = vector.shape_cast %get3A_35 : vector<1x512x1xf32> to vector<512x1xf32>
    %get3A_37 = arith.constant 0 : index
    %get3A_38 = arith.constant 0 : index
    %get3A_39 = arith.constant 2 : index
    %get3A_40 = vector.load %arg5[%get3A_37, %get3A_38, %get3A_39] : memref<1x512x3xf32, #tpu.memory_space<vmem>>, vector<1x512x1xf32>
    %get3A_41 = vector.shape_cast %get3A_40 : vector<1x512x1xf32> to vector<512x1xf32>
    %sub3A = vector.broadcast %get3A_31 : vector<512x1xf32> to vector<512x512xf32>
    %sub3A_42 = vector.broadcast %get3A_16 : vector<1x512xf32> to vector<512x512xf32>
    %sub3A_43 = arith.subf %sub3A, %sub3A_42 : vector<512x512xf32>
    %sub3A_44 = vector.broadcast %get3A_36 : vector<512x1xf32> to vector<512x512xf32>
    %sub3A_45 = vector.broadcast %get3A_21 : vector<1x512xf32> to vector<512x512xf32>
    %sub3A_46 = arith.subf %sub3A_44, %sub3A_45 : vector<512x512xf32>
    %sub3A_47 = vector.broadcast %get3A_41 : vector<512x1xf32> to vector<512x512xf32>
    %sub3A_48 = vector.broadcast %get3A_26 : vector<1x512xf32> to vector<512x512xf32>
    %sub3A_49 = arith.subf %sub3A_47, %sub3A_48 : vector<512x512xf32>
    %mul3A_50 = arith.mulf %sub3A_43, %sub3A_43 : vector<512x512xf32>
    %mul3A_51 = arith.mulf %sub3A_46, %sub3A_46 : vector<512x512xf32>
    %add3A = arith.addf %mul3A_50, %mul3A_51 : vector<512x512xf32>
    %mul3A_52 = arith.mulf %sub3A_49, %sub3A_49 : vector<512x512xf32>
    %add3A_53 = arith.addf %add3A, %mul3A_52 : vector<512x512xf32>
    %iota3A = tpu.iota {dimensions = array<i32: 0>} : vector<512x512xi32>
    %bitcast_convert_type3A = tpu.bitcast %add3A_53 : vector<512x512xf32> -> vector<512x512xi32>
    %and3A = arith.constant -512 : i32
    %and3A_54 = vector.broadcast %and3A : i32 to vector<512x512xi32>
    %and3A_55 = arith.andi %bitcast_convert_type3A, %and3A_54 : vector<512x512xi32>
    %or3A = arith.ori %and3A_55, %iota3A : vector<512x512xi32>
    %bitcast_convert_type3A_56 = tpu.bitcast %mul3A_11 : vector<512x512xf32> -> vector<512x512xi32>
    %bitcast_convert_type3A_57 = tpu.bitcast %sub3A_43 : vector<512x512xf32> -> vector<512x512xi32>
    %add3A_58 = arith.constant 32767 : i32
    %add3A_59 = vector.broadcast %add3A_58 : i32 to vector<512x512xi32>
    %add3A_60 = arith.addi %bitcast_convert_type3A_56, %add3A_59 : vector<512x512xi32>
    %shift_right_arithmetic3A = arith.constant 16 : i32
    %shift_right_arithmetic3A_61 = vector.broadcast %shift_right_arithmetic3A : i32 to vector<512x512xi32>
    %shift_right_arithmetic3A_62 = arith.shrsi %bitcast_convert_type3A_56, %shift_right_arithmetic3A_61 : vector<512x512xi32>
    %and3A_63 = arith.constant 1 : i32
    %and3A_64 = vector.broadcast %and3A_63 : i32 to vector<512x512xi32>
    %and3A_65 = arith.andi %shift_right_arithmetic3A_62, %and3A_64 : vector<512x512xi32>
    %add3A_66 = arith.addi %add3A_60, %and3A_65 : vector<512x512xi32>
    %add3A_67 = arith.constant 32767 : i32
    %add3A_68 = vector.broadcast %add3A_67 : i32 to vector<512x512xi32>
    %add3A_69 = arith.addi %bitcast_convert_type3A_57, %add3A_68 : vector<512x512xi32>
    %shift_right_arithmetic3A_70 = arith.constant 16 : i32
    %shift_right_arithmetic3A_71 = vector.broadcast %shift_right_arithmetic3A_70 : i32 to vector<512x512xi32>
    %shift_right_arithmetic3A_72 = arith.shrsi %bitcast_convert_type3A_57, %shift_right_arithmetic3A_71 : vector<512x512xi32>
    %and3A_73 = arith.constant 1 : i32
    %and3A_74 = vector.broadcast %and3A_73 : i32 to vector<512x512xi32>
    %and3A_75 = arith.andi %shift_right_arithmetic3A_72, %and3A_74 : vector<512x512xi32>
    %add3A_76 = arith.addi %add3A_69, %and3A_75 : vector<512x512xi32>
    %and3A_77 = arith.constant -65536 : i32
    %and3A_78 = vector.broadcast %and3A_77 : i32 to vector<512x512xi32>
    %and3A_79 = arith.andi %add3A_66, %and3A_78 : vector<512x512xi32>
    %shift_right_arithmetic3A_80 = arith.constant 16 : i32
    %shift_right_arithmetic3A_81 = vector.broadcast %shift_right_arithmetic3A_80 : i32 to vector<512x512xi32>
    %shift_right_arithmetic3A_82 = arith.shrsi %add3A_76, %shift_right_arithmetic3A_81 : vector<512x512xi32>
    %and3A_83 = arith.constant 65535 : i32
    %and3A_84 = vector.broadcast %and3A_83 : i32 to vector<512x512xi32>
    %and3A_85 = arith.andi %shift_right_arithmetic3A_82, %and3A_84 : vector<512x512xi32>
    %or3A_86 = arith.ori %and3A_79, %and3A_85 : vector<512x512xi32>
    %bitcast_convert_type3A_87 = tpu.bitcast %or3A_86 : vector<512x512xi32> -> vector<512x512xf32>
    %bitcast_convert_type3A_88 = tpu.bitcast %sub3A_46 : vector<512x512xf32> -> vector<512x512xi32>
    %bitcast_convert_type3A_89 = tpu.bitcast %sub3A_49 : vector<512x512xf32> -> vector<512x512xi32>
    %add3A_90 = arith.constant 32767 : i32
    %add3A_91 = vector.broadcast %add3A_90 : i32 to vector<512x512xi32>
    %add3A_92 = arith.addi %bitcast_convert_type3A_88, %add3A_91 : vector<512x512xi32>
    %shift_right_arithmetic3A_93 = arith.constant 16 : i32
    %shift_right_arithmetic3A_94 = vector.broadcast %shift_right_arithmetic3A_93 : i32 to vector<512x512xi32>
    %shift_right_arithmetic3A_95 = arith.shrsi %bitcast_convert_type3A_88, %shift_right_arithmetic3A_94 : vector<512x512xi32>
    %and3A_96 = arith.constant 1 : i32
    %and3A_97 = vector.broadcast %and3A_96 : i32 to vector<512x512xi32>
    %and3A_98 = arith.andi %shift_right_arithmetic3A_95, %and3A_97 : vector<512x512xi32>
    %add3A_99 = arith.addi %add3A_92, %and3A_98 : vector<512x512xi32>
    %add3A_100 = arith.constant 32767 : i32
    %add3A_101 = vector.broadcast %add3A_100 : i32 to vector<512x512xi32>
    %add3A_102 = arith.addi %bitcast_convert_type3A_89, %add3A_101 : vector<512x512xi32>
    %shift_right_arithmetic3A_103 = arith.constant 16 : i32
    %shift_right_arithmetic3A_104 = vector.broadcast %shift_right_arithmetic3A_103 : i32 to vector<512x512xi32>
    %shift_right_arithmetic3A_105 = arith.shrsi %bitcast_convert_type3A_89, %shift_right_arithmetic3A_104 : vector<512x512xi32>
    %and3A_106 = arith.constant 1 : i32
    %and3A_107 = vector.broadcast %and3A_106 : i32 to vector<512x512xi32>
    %and3A_108 = arith.andi %shift_right_arithmetic3A_105, %and3A_107 : vector<512x512xi32>
    %add3A_109 = arith.addi %add3A_102, %and3A_108 : vector<512x512xi32>
    %and3A_110 = arith.constant -65536 : i32
    %and3A_111 = vector.broadcast %and3A_110 : i32 to vector<512x512xi32>
    %and3A_112 = arith.andi %add3A_99, %and3A_111 : vector<512x512xi32>
    %shift_right_arithmetic3A_113 = arith.constant 16 : i32
    %shift_right_arithmetic3A_114 = vector.broadcast %shift_right_arithmetic3A_113 : i32 to vector<512x512xi32>
    %shift_right_arithmetic3A_115 = arith.shrsi %add3A_109, %shift_right_arithmetic3A_114 : vector<512x512xi32>
    %and3A_116 = arith.constant 65535 : i32
    %and3A_117 = vector.broadcast %and3A_116 : i32 to vector<512x512xi32>
    %and3A_118 = arith.andi %shift_right_arithmetic3A_115, %and3A_117 : vector<512x512xi32>
    %or3A_119 = arith.ori %and3A_112, %and3A_118 : vector<512x512xi32>
    %bitcast_convert_type3A_120 = tpu.bitcast %or3A_119 : vector<512x512xi32> -> vector<512x512xf32>
    %get3A_121 = arith.constant 0 : index
    %get3A_122 = arith.constant 0 : index
    %get3A_123 = vector.load %arg6[%get3A_121, %get3A_122] : memref<64x4xf32, #tpu.memory_space<vmem>>, vector<64x1xf32>
    %get3A_124 = arith.constant 0 : index
    %get3A_125 = arith.constant 1 : index
    %get3A_126 = vector.load %arg6[%get3A_124, %get3A_125] : memref<64x4xf32, #tpu.memory_space<vmem>>, vector<64x1xf32>
    %get3A_127 = arith.constant 0 : index
    %get3A_128 = arith.constant 2 : index
    %get3A_129 = vector.load %arg6[%get3A_127, %get3A_128] : memref<64x4xf32, #tpu.memory_space<vmem>>, vector<64x1xf32>
    %get3A_130 = arith.constant 0 : index
    %get3A_131 = arith.constant 3 : index
    %get3A_132 = vector.load %arg6[%get3A_130, %get3A_131] : memref<64x4xf32, #tpu.memory_space<vmem>>, vector<64x1xf32>
    %get3A_133 = arith.constant 0 : index
    %get3A_134 = arith.constant 0 : index
    %get3A_135 = vector.load %arg7[%get3A_133, %get3A_134] : memref<64x1xf32, #tpu.memory_space<vmem>>, vector<64x1xf32>
    %broadcast_in_dim3A = arith.constant 0.000000e+00 : f32
    %broadcast_in_dim3A_136 = vector.broadcast %broadcast_in_dim3A : f32 to vector<64x512xf32>
    %broadcast_in_dim3A_137 = arith.constant 0.000000e+00 : f32
    %broadcast_in_dim3A_138 = vector.broadcast %broadcast_in_dim3A_137 : f32 to vector<1x512xf32>
    %broadcast_in_dim3A_139 = arith.constant -1.000000e+30 : f32
    %broadcast_in_dim3A_140 = vector.broadcast %broadcast_in_dim3A_139 : f32 to vector<64x512xf32>
    %broadcast_in_dim3A_141 = arith.constant 1.000000e+30 : f32
    %broadcast_in_dim3A_142 = vector.broadcast %broadcast_in_dim3A_141 : f32 to vector<64x512xf32>
    %scan3A = arith.constant 0 : i32
    %scan3A_143 = arith.constant 32 : i32
    %scan3A_144 = arith.addi %scan3A, %scan3A_143 : i32
    %scan3A_145 = arith.constant 1 : i32
    %scan3A_146:8 = scf.for %scan3A_189 = %scan3A to %scan3A_144 step %scan3A_145 iter_args(%scan3A_190 = %or3A, %scan3A_191 = %broadcast_in_dim3A_140, %scan3A_192 = %broadcast_in_dim3A_142, %scan3A_193 = %broadcast_in_dim3A_138, %scan3A_194 = %broadcast_in_dim3A_138, %scan3A_195 = %broadcast_in_dim3A_138, %scan3A_196 = %broadcast_in_dim3A_138, %scan3A_197 = %broadcast_in_dim3A_136) -> (vector<512x512xi32>, vector<64x512xf32>, vector<64x512xf32>, vector<1x512xf32>, vector<1x512xf32>, vector<1x512xf32>, vector<1x512xf32>, vector<64x512xf32>)  : i32 {
      %reduce_min3A = arith.constant dense<2147483647> : vector<512xi32>
      %reduce_min3A_198 = vector.multi_reduction <minsi>, %scan3A_190, %reduce_min3A [0] : vector<512x512xi32> to vector<512xi32>
      %broadcast_in_dim3A_199 = vector.shape_cast %reduce_min3A_198 : vector<512xi32> to vector<1x512xi32>
      %eq3A_200 = vector.broadcast %broadcast_in_dim3A_199 : vector<1x512xi32> to vector<512x512xi32>
      %eq3A_201 = arith.cmpi eq, %scan3A_190, %eq3A_200 : vector<512x512xi32>
      %jit3A = arith.constant 0.000000e+00 : f32
      %broadcast_in_dim3A_202 = vector.broadcast %jit3A : f32 to vector<512x512xf32>
      %select_n3A = arith.select %eq3A_201, %bitcast_convert_type3A_87, %broadcast_in_dim3A_202 : vector<512x512xi1>, vector<512x512xf32>
      %reduce_sum3A_203 = arith.constant dense<0.000000e+00> : vector<512xf32>
      %reduce_sum3A_204 = vector.multi_reduction <add>, %select_n3A, %reduce_sum3A_203 [0] : vector<512x512xf32> to vector<512xf32>
      %broadcast_in_dim3A_205 = vector.shape_cast %reduce_sum3A_204 : vector<512xf32> to vector<1x512xf32>
      %jit3A_206 = arith.constant 0.000000e+00 : f32
      %broadcast_in_dim3A_207 = vector.broadcast %jit3A_206 : f32 to vector<512x512xf32>
      %select_n3A_208 = arith.select %eq3A_201, %bitcast_convert_type3A_120, %broadcast_in_dim3A_207 : vector<512x512xi1>, vector<512x512xf32>
      %reduce_sum3A_209 = arith.constant dense<0.000000e+00> : vector<512xf32>
      %reduce_sum3A_210 = vector.multi_reduction <add>, %select_n3A_208, %reduce_sum3A_209 [0] : vector<512x512xf32> to vector<512xf32>
      %broadcast_in_dim3A_211 = vector.shape_cast %reduce_sum3A_210 : vector<512xf32> to vector<1x512xf32>
      %bitcast_convert_type3A_212 = tpu.bitcast %broadcast_in_dim3A_205 : vector<1x512xf32> -> vector<1x512xi32>
      %and3A_213 = arith.constant -65536 : i32
      %and3A_214 = vector.broadcast %and3A_213 : i32 to vector<1x512xi32>
      %and3A_215 = arith.andi %bitcast_convert_type3A_212, %and3A_214 : vector<1x512xi32>
      %bitcast_convert_type3A_216 = tpu.bitcast %and3A_215 : vector<1x512xi32> -> vector<1x512xf32>
      %shift_left3A = arith.constant 16 : i32
      %shift_left3A_217 = vector.broadcast %shift_left3A : i32 to vector<1x512xi32>
      %shift_left3A_218 = arith.shli %bitcast_convert_type3A_212, %shift_left3A_217 : vector<1x512xi32>
      %bitcast_convert_type3A_219 = tpu.bitcast %shift_left3A_218 : vector<1x512xi32> -> vector<1x512xf32>
      %bitcast_convert_type3A_220 = tpu.bitcast %broadcast_in_dim3A_211 : vector<1x512xf32> -> vector<1x512xi32>
      %and3A_221 = arith.constant -65536 : i32
      %and3A_222 = vector.broadcast %and3A_221 : i32 to vector<1x512xi32>
      %and3A_223 = arith.andi %bitcast_convert_type3A_220, %and3A_222 : vector<1x512xi32>
      %bitcast_convert_type3A_224 = tpu.bitcast %and3A_223 : vector<1x512xi32> -> vector<1x512xf32>
      %shift_left3A_225 = arith.constant 16 : i32
      %shift_left3A_226 = vector.broadcast %shift_left3A_225 : i32 to vector<1x512xi32>
      %shift_left3A_227 = arith.shli %bitcast_convert_type3A_220, %shift_left3A_226 : vector<1x512xi32>
      %bitcast_convert_type3A_228 = tpu.bitcast %shift_left3A_227 : vector<1x512xi32> -> vector<1x512xf32>
      %mul3A_229 = vector.broadcast %get3A_123 : vector<64x1xf32> to vector<64x512xf32>
      %mul3A_230 = vector.broadcast %bitcast_convert_type3A_216 : vector<1x512xf32> to vector<64x512xf32>
      %mul3A_231 = arith.mulf %mul3A_229, %mul3A_230 : vector<64x512xf32>
      %mul3A_232 = vector.broadcast %get3A_126 : vector<64x1xf32> to vector<64x512xf32>
      %mul3A_233 = vector.broadcast %bitcast_convert_type3A_219 : vector<1x512xf32> to vector<64x512xf32>
      %mul3A_234 = arith.mulf %mul3A_232, %mul3A_233 : vector<64x512xf32>
      %add3A_235 = arith.addf %mul3A_231, %mul3A_234 : vector<64x512xf32>
      %mul3A_236 = vector.broadcast %get3A_129 : vector<64x1xf32> to vector<64x512xf32>
      %mul3A_237 = vector.broadcast %bitcast_convert_type3A_224 : vector<1x512xf32> to vector<64x512xf32>
      %mul3A_238 = arith.mulf %mul3A_236, %mul3A_237 : vector<64x512xf32>
      %add3A_239 = arith.addf %add3A_235, %mul3A_238 : vector<64x512xf32>
      %mul3A_240 = vector.broadcast %get3A_132 : vector<64x1xf32> to vector<64x512xf32>
      %mul3A_241 = vector.broadcast %bitcast_convert_type3A_228 : vector<1x512xf32> to vector<64x512xf32>
      %mul3A_242 = arith.mulf %mul3A_240, %mul3A_241 : vector<64x512xf32>
      %add3A_243 = arith.addf %add3A_239, %mul3A_242 : vector<64x512xf32>
      %add3A_244 = vector.broadcast %get3A_135 : vector<64x1xf32> to vector<64x512xf32>
      %add3A_245 = arith.addf %add3A_243, %add3A_244 : vector<64x512xf32>
      %jit3A_246 = arith.constant 2147483647 : i32
      %broadcast_in_dim3A_247 = vector.broadcast %jit3A_246 : i32 to vector<512x512xi32>
      %select_n3A_248 = arith.select %eq3A_201, %broadcast_in_dim3A_247, %scan3A_190 : vector<512x512xi1>, vector<512x512xi32>
      %max3A = arith.maximumf %scan3A_191, %add3A_245 : vector<64x512xf32>
      %min3A = arith.minimumf %scan3A_192, %add3A_245 : vector<64x512xf32>
      %add3A_249 = arith.addf %scan3A_193, %bitcast_convert_type3A_216 : vector<1x512xf32>
      %add3A_250 = arith.addf %scan3A_194, %bitcast_convert_type3A_219 : vector<1x512xf32>
      %add3A_251 = arith.addf %scan3A_195, %bitcast_convert_type3A_224 : vector<1x512xf32>
      %add3A_252 = arith.addf %scan3A_196, %bitcast_convert_type3A_228 : vector<1x512xf32>
      %mul3A_253 = arith.mulf %add3A_245, %add3A_245 : vector<64x512xf32>
      %add3A_254 = arith.addf %scan3A_197, %mul3A_253 : vector<64x512xf32>
      scf.yield %select_n3A_248, %max3A, %min3A, %add3A_249, %add3A_250, %add3A_251, %add3A_252, %add3A_254 : vector<512x512xi32>, vector<64x512xf32>, vector<64x512xf32>, vector<1x512xf32>, vector<1x512xf32>, vector<1x512xf32>, vector<1x512xf32>, vector<64x512xf32>
    }
    %mul3A_147 = vector.broadcast %get3A_123 : vector<64x1xf32> to vector<64x512xf32>
    %mul3A_148 = vector.broadcast %scan3A_146#3 : vector<1x512xf32> to vector<64x512xf32>
    %mul3A_149 = arith.mulf %mul3A_147, %mul3A_148 : vector<64x512xf32>
    %mul3A_150 = vector.broadcast %get3A_126 : vector<64x1xf32> to vector<64x512xf32>
    %mul3A_151 = vector.broadcast %scan3A_146#4 : vector<1x512xf32> to vector<64x512xf32>
    %mul3A_152 = arith.mulf %mul3A_150, %mul3A_151 : vector<64x512xf32>
    %add3A_153 = arith.addf %mul3A_149, %mul3A_152 : vector<64x512xf32>
    %mul3A_154 = vector.broadcast %get3A_129 : vector<64x1xf32> to vector<64x512xf32>
    %mul3A_155 = vector.broadcast %scan3A_146#5 : vector<1x512xf32> to vector<64x512xf32>
    %mul3A_156 = arith.mulf %mul3A_154, %mul3A_155 : vector<64x512xf32>
    %add3A_157 = arith.addf %add3A_153, %mul3A_156 : vector<64x512xf32>
    %mul3A_158 = vector.broadcast %get3A_132 : vector<64x1xf32> to vector<64x512xf32>
    %mul3A_159 = vector.broadcast %scan3A_146#6 : vector<1x512xf32> to vector<64x512xf32>
    %mul3A_160 = arith.mulf %mul3A_158, %mul3A_159 : vector<64x512xf32>
    %add3A_161 = arith.addf %add3A_157, %mul3A_160 : vector<64x512xf32>
    %mul3A_162 = arith.constant 3.200000e+01 : f32
    %mul3A_163 = vector.broadcast %mul3A_162 : f32 to vector<64x1xf32>
    %mul3A_164 = arith.mulf %mul3A_163, %get3A_135 : vector<64x1xf32>
    %add3A_165 = vector.broadcast %mul3A_164 : vector<64x1xf32> to vector<64x512xf32>
    %add3A_166 = arith.addf %add3A_161, %add3A_165 : vector<64x512xf32>
    %swap3A = arith.constant 0 : index
    %swap3A_167 = arith.constant 0 : index
    %swap3A_168 = arith.constant 0 : index
    %swap3A_169 = vector.load %arg8[%swap3A, %swap3A_167, %swap3A_168] : memref<1x64x512xf32, #tpu.memory_space<vmem>>, vector<1x64x512xf32>
    %swap3A_170 = vector.shape_cast %swap3A_169 : vector<1x64x512xf32> to vector<64x512xf32>
    %swap3A_171 = vector.shape_cast %scan3A_146#1 : vector<64x512xf32> to vector<1x64x512xf32>
    tpu.vector_store %arg8[%swap3A, %swap3A_167, %swap3A_168], %swap3A_171 {strides = array<i32>} : memref<1x64x512xf32, #tpu.memory_space<vmem>>, vector<1x64x512xf32>,
    %swap3A_172 = arith.constant 0 : index
    %swap3A_173 = arith.constant 0 : index
    %swap3A_174 = arith.constant 0 : index
    %swap3A_175 = vector.load %arg9[%swap3A_172, %swap3A_173, %swap3A_174] : memref<1x64x512xf32, #tpu.memory_space<vmem>>, vector<1x64x512xf32>
    %swap3A_176 = vector.shape_cast %swap3A_175 : vector<1x64x512xf32> to vector<64x512xf32>
    %swap3A_177 = vector.shape_cast %scan3A_146#2 : vector<64x512xf32> to vector<1x64x512xf32>
    tpu.vector_store %arg9[%swap3A_172, %swap3A_173, %swap3A_174], %swap3A_177 {strides = array<i32>} : memref<1x64x512xf32, #tpu.memory_space<vmem>>, vector<1x64x512xf32>,
    %reduce_sum3A = arith.constant dense<0.000000e+00> : vector<64xf32>
    %reduce_sum3A_178 = vector.multi_reduction <add>, %add3A_166, %reduce_sum3A [1] : vector<64x512xf32> to vector<64xf32>
    %broadcast_in_dim3A_179 = vector.shape_cast %reduce_sum3A_178 : vector<64xf32> to vector<64x1xf32>
    %reduce_sum3A_180 = arith.constant dense<0.000000e+00> : vector<64xf32>
    %reduce_sum3A_181 = vector.multi_reduction <add>, %scan3A_146#7, %reduce_sum3A_180 [1] : vector<64x512xf32> to vector<64xf32>
    %broadcast_in_dim3A_182 = vector.shape_cast %reduce_sum3A_181 : vector<64xf32> to vector<64x1xf32>
    %eq3A = arith.constant 0 : i32
    %eq3A_183 = arith.cmpi eq, %arg1, %eq3A : i32
    %convert_element_type3A = arith.extui %eq3A_183 : i1 to i32
    %cond3A = arith.constant 0 : i32
    %cond3A_184 = arith.cmpi ne, %convert_element_type3A, %cond3A : i32
    scf.if %cond3A_184 {
      %swap3A_189 = arith.constant 0 : index
      %swap3A_190 = arith.constant 0 : index
      %swap3A_191 = arith.constant 0 : index
      %swap3A_192 = vector.load %arg10[%swap3A_189, %swap3A_190, %swap3A_191] : memref<1x64x1xf32, #tpu.memory_space<vmem>>, vector<1x64x1xf32>
      %swap3A_193 = vector.shape_cast %swap3A_192 : vector<1x64x1xf32> to vector<64x1xf32>
      %swap3A_194 = vector.shape_cast %broadcast_in_dim3A_179 : vector<64x1xf32> to vector<1x64x1xf32>
      tpu.vector_store %arg10[%swap3A_189, %swap3A_190, %swap3A_191], %swap3A_194 {strides = array<i32>} : memref<1x64x1xf32, #tpu.memory_space<vmem>>, vector<1x64x1xf32>,
      %swap3A_195 = arith.constant 0 : index
      %swap3A_196 = arith.constant 0 : index
      %swap3A_197 = arith.constant 0 : index
      %swap3A_198 = vector.load %arg11[%swap3A_195, %swap3A_196, %swap3A_197] : memref<1x64x1xf32, #tpu.memory_space<vmem>>, vector<1x64x1xf32>
      %swap3A_199 = vector.shape_cast %swap3A_198 : vector<1x64x1xf32> to vector<64x1xf32>
      %swap3A_200 = vector.shape_cast %broadcast_in_dim3A_182 : vector<64x1xf32> to vector<1x64x1xf32>
      tpu.vector_store %arg11[%swap3A_195, %swap3A_196, %swap3A_197], %swap3A_200 {strides = array<i32>} : memref<1x64x1xf32, #tpu.memory_space<vmem>>, vector<1x64x1xf32>,
    } else {
    }
    %ne3A = arith.constant 0 : i32
    %ne3A_185 = arith.cmpi ne, %arg1, %ne3A : i32
    %convert_element_type3A_186 = arith.extui %ne3A_185 : i1 to i32
    %cond3A_187 = arith.constant 0 : i32
    %cond3A_188 = arith.cmpi ne, %convert_element_type3A_186, %cond3A_187 : i32
    scf.if %cond3A_188 {
      %get3A_189 = arith.constant 0 : index
      %get3A_190 = arith.constant 0 : index
      %get3A_191 = arith.constant 0 : index
      %get3A_192 = vector.load %arg10[%get3A_189, %get3A_190, %get3A_191] : memref<1x64x1xf32, #tpu.memory_space<vmem>>, vector<1x64x1xf32>
      %get3A_193 = vector.shape_cast %get3A_192 : vector<1x64x1xf32> to vector<64x1xf32>
      %add3A_194 = arith.addf %get3A_193, %broadcast_in_dim3A_179 : vector<64x1xf32>
      %swap3A_195 = arith.constant 0 : index
      %swap3A_196 = arith.constant 0 : index
      %swap3A_197 = arith.constant 0 : index
      %swap3A_198 = vector.load %arg10[%swap3A_195, %swap3A_196, %swap3A_197] : memref<1x64x1xf32, #tpu.memory_space<vmem>>, vector<1x64x1xf32>
      %swap3A_199 = vector.shape_cast %swap3A_198 : vector<1x64x1xf32> to vector<64x1xf32>
      %swap3A_200 = vector.shape_cast %add3A_194 : vector<64x1xf32> to vector<1x64x1xf32>
      tpu.vector_store %arg10[%swap3A_195, %swap3A_196, %swap3A_197], %swap3A_200 {strides = array<i32>} : memref<1x64x1xf32, #tpu.memory_space<vmem>>, vector<1x64x1xf32>,
      %get3A_201 = arith.constant 0 : index
      %get3A_202 = arith.constant 0 : index
      %get3A_203 = arith.constant 0 : index
      %get3A_204 = vector.load %arg11[%get3A_201, %get3A_202, %get3A_203] : memref<1x64x1xf32, #tpu.memory_space<vmem>>, vector<1x64x1xf32>
      %get3A_205 = vector.shape_cast %get3A_204 : vector<1x64x1xf32> to vector<64x1xf32>
      %add3A_206 = arith.addf %get3A_205, %broadcast_in_dim3A_182 : vector<64x1xf32>
      %swap3A_207 = arith.constant 0 : index
      %swap3A_208 = arith.constant 0 : index
      %swap3A_209 = arith.constant 0 : index
      %swap3A_210 = vector.load %arg11[%swap3A_207, %swap3A_208, %swap3A_209] : memref<1x64x1xf32, #tpu.memory_space<vmem>>, vector<1x64x1xf32>
      %swap3A_211 = vector.shape_cast %swap3A_210 : vector<1x64x1xf32> to vector<64x1xf32>
      %swap3A_212 = vector.shape_cast %add3A_206 : vector<64x1xf32> to vector<1x64x1xf32>
      tpu.vector_store %arg11[%swap3A_207, %swap3A_208, %swap3A_209], %swap3A_212 {strides = array<i32>} : memref<1x64x1xf32, #tpu.memory_space<vmem>>, vector<1x64x1xf32>,
    } else {
    }
    return
  }
  func.func @transform_0(%arg0: i32, %arg1: i32) -> (i32, i32, i32) {
    %c0_i32 = arith.constant 0 : i32
    %c0_i32_0 = arith.constant 0 : i32
    return %arg0, %c0_i32, %arg1 : i32, i32, i32
  }
  func.func @transform_1(%arg0: i32, %arg1: i32) -> (i32, i32, i32) {
    %c0_i32 = arith.constant 0 : i32
    %c0_i32_0 = arith.constant 0 : i32
    %c0_i32_1 = arith.constant 0 : i32
    return %arg0, %c0_i32, %c0_i32_0 : i32, i32, i32
  }
  func.func @transform_2(%arg0: i32, %arg1: i32) -> (i32, i32, i32) {
    %c0_i32 = arith.constant 0 : i32
    %c0_i32_0 = arith.constant 0 : i32
    return %arg0, %c0_i32, %arg1 : i32, i32, i32
  }
  func.func @transform_3(%arg0: i32, %arg1: i32) -> (i32, i32, i32) {
    %c0_i32 = arith.constant 0 : i32
    %c0_i32_0 = arith.constant 0 : i32
    %c0_i32_1 = arith.constant 0 : i32
    return %arg0, %c0_i32, %c0_i32_0 : i32, i32, i32
  }
  func.func @transform_4(%arg0: i32, %arg1: i32) -> (i32, i32) {
    %c0_i32 = arith.constant 0 : i32
    %c0_i32_0 = arith.constant 0 : i32
    %c0_i32_1 = arith.constant 0 : i32
    return %c0_i32, %c0_i32_0 : i32, i32
  }
  func.func @transform_5(%arg0: i32, %arg1: i32) -> (i32, i32) {
    %c0_i32 = arith.constant 0 : i32
    %c0_i32_0 = arith.constant 0 : i32
    %c0_i32_1 = arith.constant 0 : i32
    return %c0_i32, %c0_i32_0 : i32, i32
  }
  func.func @transform_6(%arg0: i32, %arg1: i32) -> (i32, i32, i32) {
    %c0_i32 = arith.constant 0 : i32
    %c0_i32_0 = arith.constant 0 : i32
    return %arg0, %c0_i32, %arg1 : i32, i32, i32
  }
  func.func @transform_7(%arg0: i32, %arg1: i32) -> (i32, i32, i32) {
    %c0_i32 = arith.constant 0 : i32
    %c0_i32_0 = arith.constant 0 : i32
    return %arg0, %c0_i32, %arg1 : i32, i32, i32
  }
  func.func @transform_8(%arg0: i32, %arg1: i32) -> (i32, i32, i32) {
    %c0_i32 = arith.constant 0 : i32
    %c0_i32_0 = arith.constant 0 : i32
    %c0_i32_1 = arith.constant 0 : i32
    return %arg0, %c0_i32, %c0_i32_0 : i32, i32, i32
  }
  func.func @transform_9(%arg0: i32, %arg1: i32) -> (i32, i32, i32) {
    %c0_i32 = arith.constant 0 : i32
    %c0_i32_0 = arith.constant 0 : i32
    %c0_i32_1 = arith.constant 0 : i32
    return %arg0, %c0_i32, %c0_i32_0 : i32, i32, i32
  }
}

module attributes {stable_mosaic.version = 14 : i64} {
  func.func @_stage2_body(%arg0: i32, %arg1: memref<1x4096x96xf32, #tpu.memory_space<vmem>>, %arg2: memref<1x64x4096xf32, #tpu.memory_space<vmem>>, %arg3: memref<1x64x4096xf32, #tpu.memory_space<vmem>>, %arg4: memref<1x64x1xf32, #tpu.memory_space<vmem>>, %arg5: memref<1x64x1xf32, #tpu.memory_space<vmem>>, %arg6: memref<128x81xf32, #tpu.memory_space<vmem>>, %arg7: memref<128x1xf32, #tpu.memory_space<vmem>>, %arg8: memref<128x1xf32, #tpu.memory_space<vmem>>, %arg9: memref<128x1xf32, #tpu.memory_space<vmem>>, %arg10: memref<1x1xf32, #tpu.memory_space<vmem>>, %arg11: memref<192x128xf32, #tpu.memory_space<vmem>>, %arg12: memref<192x1xf32, #tpu.memory_space<vmem>>, %arg13: memref<64x1xf32, #tpu.memory_space<vmem>>, %arg14: memref<64x1xf32, #tpu.memory_space<vmem>>, %arg15: memref<1x1xf32, #tpu.memory_space<vmem>>, %arg16: memref<192x64xf32, #tpu.memory_space<vmem>>, %arg17: memref<192x1xf32, #tpu.memory_space<vmem>>, %arg18: memref<1x192x4096xf32, #tpu.memory_space<vmem>>) attributes {dimension_semantics = [#tpu.dimension_semantics<arbitrary>], iteration_bounds = array<i64: 2>, scalar_prefetch = 0 : i64, scratch_operands = 0 : i64, tpu.core_type = #tpu.core_type<tc>, window_params = [{transform_indices = @transform_0, window_bounds = array<i64: 1, 4096, 96>}, {transform_indices = @transform_1, window_bounds = array<i64: 1, 64, 4096>}, {transform_indices = @transform_2, window_bounds = array<i64: 1, 64, 4096>}, {transform_indices = @transform_3, window_bounds = array<i64: 1, 64, 1>}, {transform_indices = @transform_4, window_bounds = array<i64: 1, 64, 1>}, {pipeline_mode = #tpu.pipeline_mode<synchronous>, transform_indices = @transform_5, window_bounds = array<i64: 128, 81>}, {pipeline_mode = #tpu.pipeline_mode<synchronous>, transform_indices = @transform_6, window_bounds = array<i64: 128, 1>}, {pipeline_mode = #tpu.pipeline_mode<synchronous>, transform_indices = @transform_7, window_bounds = array<i64: 128, 1>}, {pipeline_mode = #tpu.pipeline_mode<synchronous>, transform_indices = @transform_8, window_bounds = array<i64: 128, 1>}, {pipeline_mode = #tpu.pipeline_mode<synchronous>, transform_indices = @transform_9, window_bounds = array<i64: 1, 1>}, {pipeline_mode = #tpu.pipeline_mode<synchronous>, transform_indices = @transform_10, window_bounds = array<i64: 192, 128>}, {pipeline_mode = #tpu.pipeline_mode<synchronous>, transform_indices = @transform_11, window_bounds = array<i64: 192, 1>}, {pipeline_mode = #tpu.pipeline_mode<synchronous>, transform_indices = @transform_12, window_bounds = array<i64: 64, 1>}, {pipeline_mode = #tpu.pipeline_mode<synchronous>, transform_indices = @transform_13, window_bounds = array<i64: 64, 1>}, {pipeline_mode = #tpu.pipeline_mode<synchronous>, transform_indices = @transform_14, window_bounds = array<i64: 1, 1>}, {pipeline_mode = #tpu.pipeline_mode<synchronous>, transform_indices = @transform_15, window_bounds = array<i64: 192, 64>}, {pipeline_mode = #tpu.pipeline_mode<synchronous>, transform_indices = @transform_16, window_bounds = array<i64: 192, 1>}, {transform_indices = @transform_17, window_bounds = array<i64: 1, 192, 4096>}]} {
    %get3A = arith.constant 0 : index
    %get3A_0 = arith.constant 0 : index
    %get3A_1 = arith.constant 0 : index
    %get3A_2 = vector.load %arg1[%get3A, %get3A_0, %get3A_1] : memref<1x4096x96xf32, #tpu.memory_space<vmem>>, vector<1x4096x96xf32>
    %get3A_3 = vector.shape_cast %get3A_2 : vector<1x4096x96xf32> to vector<4096x96xf32>
    %slice3A = vector.extract_strided_slice %get3A_3 {offsets = [0, 0], sizes = [4096, 81], strides = [1, 1]} : vector<4096x96xf32> to vector<4096x81xf32>
    %get3A_4 = arith.constant 0 : index
    %get3A_5 = arith.constant 0 : index
    %get3A_6 = vector.load %arg6[%get3A_4, %get3A_5] : memref<128x81xf32, #tpu.memory_space<vmem>>, vector<128x81xf32>
    %dot_general3A = arith.constant dense<0.000000e+00> : vector<128x4096xf32>
    %dot_general3A_7 = tpu.matmul %get3A_6, %slice3A, %dot_general3A {dimension_numbers = #tpu.dot_dimension_numbers<[1], [1], [0], [0], [0, 0, 1, 0], [], []>, precision = #tpu.contract_precision<fp32>, transpose_lhs_hint = false} : vector<128x81xf32>, vector<4096x81xf32>, vector<128x4096xf32> -> vector<128x4096xf32>
    %get3A_8 = arith.constant 0 : index
    %get3A_9 = arith.constant 0 : index
    %get3A_10 = vector.load %arg7[%get3A_8, %get3A_9] : memref<128x1xf32, #tpu.memory_space<vmem>>, vector<128x1xf32>
    %add3A = vector.broadcast %get3A_10 : vector<128x1xf32> to vector<128x4096xf32>
    %add3A_11 = arith.addf %dot_general3A_7, %add3A : vector<128x4096xf32>
    %reduce_sum3A = arith.constant dense<0.000000e+00> : vector<128xf32>
    %reduce_sum3A_12 = vector.multi_reduction <add>, %add3A_11, %reduce_sum3A [1] : vector<128x4096xf32> to vector<128xf32>
    %broadcast_in_dim3A = vector.shape_cast %reduce_sum3A_12 : vector<128xf32> to vector<128x1xf32>
    %mul3A = arith.mulf %add3A_11, %add3A_11 : vector<128x4096xf32>
    %reduce_sum3A_13 = arith.constant dense<0.000000e+00> : vector<128xf32>
    %reduce_sum3A_14 = vector.multi_reduction <add>, %mul3A, %reduce_sum3A_13 [1] : vector<128x4096xf32> to vector<128xf32>
    %broadcast_in_dim3A_15 = vector.shape_cast %reduce_sum3A_14 : vector<128xf32> to vector<128x1xf32>
    %iota3A = tpu.iota {dimensions = array<i32: 0>} : vector<8x128xi32>
    %iota3A_16 = tpu.iota {dimensions = array<i32: 1>} : vector<8x128xi32>
    %jit3A = arith.constant 16 : i32
    %div3A = vector.broadcast %jit3A : i32 to vector<8x128xi32>
    %div3A_17 = arith.divsi %iota3A_16, %div3A : vector<8x128xi32>
    %sign3A = arith.constant 0 : i32
    %sign3A_18 = vector.broadcast %sign3A : i32 to vector<8x128xi32>
    %sign3A_19 = arith.cmpi sgt, %iota3A_16, %sign3A_18 : vector<8x128xi32>
    %sign3A_20 = arith.extui %sign3A_19 : vector<8x128xi1> to vector<8x128xi32>
    %sign3A_21 = arith.constant 0 : i32
    %sign3A_22 = vector.broadcast %sign3A_21 : i32 to vector<8x128xi32>
    %sign3A_23 = arith.cmpi slt, %iota3A_16, %sign3A_22 : vector<8x128xi32>
    %sign3A_24 = arith.extui %sign3A_23 : vector<8x128xi1> to vector<8x128xi32>
    %sign3A_25 = arith.subi %sign3A_20, %sign3A_24 : vector<8x128xi32>
    %sign3A_26 = arith.constant 0 : i32
    %sign3A_27 = arith.cmpi sgt, %jit3A, %sign3A_26 : i32
    %sign3A_28 = arith.extui %sign3A_27 : i1 to i32
    %sign3A_29 = arith.constant 0 : i32
    %sign3A_30 = arith.cmpi slt, %jit3A, %sign3A_29 : i32
    %sign3A_31 = arith.extui %sign3A_30 : i1 to i32
    %sign3A_32 = arith.subi %sign3A_28, %sign3A_31 : i32
    %ne3A = vector.broadcast %sign3A_32 : i32 to vector<8x128xi32>
    %ne3A_33 = arith.cmpi ne, %sign3A_25, %ne3A : vector<8x128xi32>
    %rem3A = vector.broadcast %jit3A : i32 to vector<8x128xi32>
    %rem3A_34 = arith.remsi %iota3A_16, %rem3A : vector<8x128xi32>
    %ne3A_35 = arith.constant 0 : i32
    %ne3A_36 = vector.broadcast %ne3A_35 : i32 to vector<8x128xi32>
    %ne3A_37 = arith.cmpi ne, %rem3A_34, %ne3A_36 : vector<8x128xi32>
    %and3A = arith.andi %ne3A_33, %ne3A_37 : vector<8x128xi1>
    %sub3A = arith.constant 1 : i32
    %sub3A_38 = vector.broadcast %sub3A : i32 to vector<8x128xi32>
    %sub3A_39 = arith.subi %div3A_17, %sub3A_38 : vector<8x128xi32>
    %select_n3A = arith.select %and3A, %sub3A_39, %div3A_17 : vector<8x128xi1>, vector<8x128xi32>
    %eq3A = arith.cmpi eq, %select_n3A, %iota3A : vector<8x128xi32>
    %convert_element_type3A = arith.extui %eq3A : vector<8x128xi1> to vector<8x128xi32>
    %convert_element_type3A_40 = arith.sitofp %convert_element_type3A : vector<8x128xi32> to vector<8x128xf32>
    %transpose3A = tpu.transpose %convert_element_type3A_40, [1, 0] : vector<8x128xf32> -> vector<128x8xf32>
    %dot_general3A_41 = arith.constant dense<0.000000e+00> : vector<8x1xf32>
    %dot_general3A_42 = tpu.matmul %convert_element_type3A_40, %broadcast_in_dim3A, %dot_general3A_41 {dimension_numbers = #tpu.dot_dimension_numbers<[1], [0], [0], [1], [0, 0, 1, 1], [], []>, transpose_lhs_hint = false} : vector<8x128xf32>, vector<128x1xf32>, vector<8x1xf32> -> vector<8x1xf32>
    %div3A_43 = arith.constant 6.553600e+04 : f32
    %div3A_44 = vector.broadcast %div3A_43 : f32 to vector<8x1xf32>
    %div3A_45 = arith.divf %dot_general3A_42, %div3A_44 : vector<8x1xf32>
    %dot_general3A_46 = arith.constant dense<0.000000e+00> : vector<8x1xf32>
    %dot_general3A_47 = tpu.matmul %convert_element_type3A_40, %broadcast_in_dim3A_15, %dot_general3A_46 {dimension_numbers = #tpu.dot_dimension_numbers<[1], [0], [0], [1], [0, 0, 1, 1], [], []>, transpose_lhs_hint = false} : vector<8x128xf32>, vector<128x1xf32>, vector<8x1xf32> -> vector<8x1xf32>
    %div3A_48 = arith.constant 6.553600e+04 : f32
    %div3A_49 = vector.broadcast %div3A_48 : f32 to vector<8x1xf32>
    %div3A_50 = arith.divf %dot_general3A_47, %div3A_49 : vector<8x1xf32>
    %mul3A_51 = arith.mulf %div3A_45, %div3A_45 : vector<8x1xf32>
    %sub3A_52 = arith.subf %div3A_50, %mul3A_51 : vector<8x1xf32>
    %dot_general3A_53 = arith.constant dense<0.000000e+00> : vector<128x1xf32>
    %dot_general3A_54 = tpu.matmul %transpose3A, %div3A_45, %dot_general3A_53 {dimension_numbers = #tpu.dot_dimension_numbers<[1], [0], [0], [1], [0, 0, 1, 1], [], []>, transpose_lhs_hint = false} : vector<128x8xf32>, vector<8x1xf32>, vector<128x1xf32> -> vector<128x1xf32>
    %dot_general3A_55 = arith.constant dense<0.000000e+00> : vector<128x1xf32>
    %dot_general3A_56 = tpu.matmul %transpose3A, %sub3A_52, %dot_general3A_55 {dimension_numbers = #tpu.dot_dimension_numbers<[1], [0], [0], [1], [0, 0, 1, 1], [], []>, transpose_lhs_hint = false} : vector<128x8xf32>, vector<8x1xf32>, vector<128x1xf32> -> vector<128x1xf32>
    %sub3A_57 = vector.broadcast %dot_general3A_54 : vector<128x1xf32> to vector<128x4096xf32>
    %sub3A_58 = arith.subf %add3A_11, %sub3A_57 : vector<128x4096xf32>
    %get3A_59 = arith.constant 0 : index
    %get3A_60 = arith.constant 0 : index
    %get3A_61 = vector.load %arg8[%get3A_59, %get3A_60] : memref<128x1xf32, #tpu.memory_space<vmem>>, vector<128x1xf32>
    %add3A_62 = arith.constant 9.99999974E-6 : f32
    %add3A_63 = vector.broadcast %add3A_62 : f32 to vector<128x1xf32>
    %add3A_64 = arith.addf %dot_general3A_56, %add3A_63 : vector<128x1xf32>
    %rsqrt3A = math.rsqrt %add3A_64 : vector<128x1xf32>
    %mul3A_65 = arith.mulf %get3A_61, %rsqrt3A : vector<128x1xf32>
    %mul3A_66 = vector.broadcast %mul3A_65 : vector<128x1xf32> to vector<128x4096xf32>
    %mul3A_67 = arith.mulf %sub3A_58, %mul3A_66 : vector<128x4096xf32>
    %get3A_68 = arith.constant 0 : index
    %get3A_69 = arith.constant 0 : index
    %get3A_70 = vector.load %arg9[%get3A_68, %get3A_69] : memref<128x1xf32, #tpu.memory_space<vmem>>, vector<128x1xf32>
    %add3A_71 = vector.broadcast %get3A_70 : vector<128x1xf32> to vector<128x4096xf32>
    %add3A_72 = arith.addf %mul3A_67, %add3A_71 : vector<128x4096xf32>
    %ge3A = arith.constant 0.000000e+00 : f32
    %ge3A_73 = vector.broadcast %ge3A : f32 to vector<128x4096xf32>
    %ge3A_74 = arith.cmpf oge, %add3A_72, %ge3A_73 : vector<128x4096xf32>
    %get3A_75 = arith.constant 0 : index
    %get3A_76 = arith.constant 0 : index
    %get3A_77 = vector.load %arg10[%get3A_75, %get3A_76] : memref<1x1xf32, #tpu.memory_space<vmem>>, vector<1x1xf32>
    %get3A_78 = vector.extract %get3A_77[0, 0] : f32 from vector<1x1xf32>
    %mul3A_79 = vector.broadcast %get3A_78 : f32 to vector<128x4096xf32>
    %mul3A_80 = arith.mulf %mul3A_79, %add3A_72 : vector<128x4096xf32>
    %select_n3A_81 = arith.select %ge3A_74, %add3A_72, %mul3A_80 : vector<128x4096xi1>, vector<128x4096xf32>
    %get3A_82 = arith.constant 0 : index
    %get3A_83 = arith.constant 0 : index
    %get3A_84 = vector.load %arg11[%get3A_82, %get3A_83] : memref<192x128xf32, #tpu.memory_space<vmem>>, vector<192x128xf32>
    %dot_general3A_85 = arith.constant dense<0.000000e+00> : vector<192x4096xf32>
    %dot_general3A_86 = tpu.matmul %get3A_84, %select_n3A_81, %dot_general3A_85 {dimension_numbers = #tpu.dot_dimension_numbers<[1], [0], [0], [1], [0, 0, 1, 1], [], []>, precision = #tpu.contract_precision<fp32>, transpose_lhs_hint = false} : vector<192x128xf32>, vector<128x4096xf32>, vector<192x4096xf32> -> vector<192x4096xf32>
    %get3A_87 = arith.constant 0 : index
    %get3A_88 = arith.constant 0 : index
    %get3A_89 = vector.load %arg12[%get3A_87, %get3A_88] : memref<192x1xf32, #tpu.memory_space<vmem>>, vector<192x1xf32>
    %add3A_90 = vector.broadcast %get3A_89 : vector<192x1xf32> to vector<192x4096xf32>
    %add3A_91 = arith.addf %dot_general3A_86, %add3A_90 : vector<192x4096xf32>
    %get3A_92 = arith.constant 0 : index
    %get3A_93 = arith.constant 0 : index
    %get3A_94 = arith.constant 0 : index
    %get3A_95 = vector.load %arg4[%get3A_92, %get3A_93, %get3A_94] : memref<1x64x1xf32, #tpu.memory_space<vmem>>, vector<1x64x1xf32>
    %get3A_96 = vector.shape_cast %get3A_95 : vector<1x64x1xf32> to vector<64x1xf32>
    %get3A_97 = arith.constant 0 : index
    %get3A_98 = arith.constant 0 : index
    %get3A_99 = arith.constant 0 : index
    %get3A_100 = vector.load %arg5[%get3A_97, %get3A_98, %get3A_99] : memref<1x64x1xf32, #tpu.memory_space<vmem>>, vector<1x64x1xf32>
    %get3A_101 = vector.shape_cast %get3A_100 : vector<1x64x1xf32> to vector<64x1xf32>
    %iota3A_102 = tpu.iota {dimensions = array<i32: 0>} : vector<8x64xi32>
    %iota3A_103 = tpu.iota {dimensions = array<i32: 1>} : vector<8x64xi32>
    %jit3A_104 = arith.constant 8 : i32
    %div3A_105 = vector.broadcast %jit3A_104 : i32 to vector<8x64xi32>
    %div3A_106 = arith.divsi %iota3A_103, %div3A_105 : vector<8x64xi32>
    %sign3A_107 = arith.constant 0 : i32
    %sign3A_108 = vector.broadcast %sign3A_107 : i32 to vector<8x64xi32>
    %sign3A_109 = arith.cmpi sgt, %iota3A_103, %sign3A_108 : vector<8x64xi32>
    %sign3A_110 = arith.extui %sign3A_109 : vector<8x64xi1> to vector<8x64xi32>
    %sign3A_111 = arith.constant 0 : i32
    %sign3A_112 = vector.broadcast %sign3A_111 : i32 to vector<8x64xi32>
    %sign3A_113 = arith.cmpi slt, %iota3A_103, %sign3A_112 : vector<8x64xi32>
    %sign3A_114 = arith.extui %sign3A_113 : vector<8x64xi1> to vector<8x64xi32>
    %sign3A_115 = arith.subi %sign3A_110, %sign3A_114 : vector<8x64xi32>
    %sign3A_116 = arith.constant 0 : i32
    %sign3A_117 = arith.cmpi sgt, %jit3A_104, %sign3A_116 : i32
    %sign3A_118 = arith.extui %sign3A_117 : i1 to i32
    %sign3A_119 = arith.constant 0 : i32
    %sign3A_120 = arith.cmpi slt, %jit3A_104, %sign3A_119 : i32
    %sign3A_121 = arith.extui %sign3A_120 : i1 to i32
    %sign3A_122 = arith.subi %sign3A_118, %sign3A_121 : i32
    %ne3A_123 = vector.broadcast %sign3A_122 : i32 to vector<8x64xi32>
    %ne3A_124 = arith.cmpi ne, %sign3A_115, %ne3A_123 : vector<8x64xi32>
    %rem3A_125 = vector.broadcast %jit3A_104 : i32 to vector<8x64xi32>
    %rem3A_126 = arith.remsi %iota3A_103, %rem3A_125 : vector<8x64xi32>
    %ne3A_127 = arith.constant 0 : i32
    %ne3A_128 = vector.broadcast %ne3A_127 : i32 to vector<8x64xi32>
    %ne3A_129 = arith.cmpi ne, %rem3A_126, %ne3A_128 : vector<8x64xi32>
    %and3A_130 = arith.andi %ne3A_124, %ne3A_129 : vector<8x64xi1>
    %sub3A_131 = arith.constant 1 : i32
    %sub3A_132 = vector.broadcast %sub3A_131 : i32 to vector<8x64xi32>
    %sub3A_133 = arith.subi %div3A_106, %sub3A_132 : vector<8x64xi32>
    %select_n3A_134 = arith.select %and3A_130, %sub3A_133, %div3A_106 : vector<8x64xi1>, vector<8x64xi32>
    %eq3A_135 = arith.cmpi eq, %select_n3A_134, %iota3A_102 : vector<8x64xi32>
    %convert_element_type3A_136 = arith.extui %eq3A_135 : vector<8x64xi1> to vector<8x64xi32>
    %convert_element_type3A_137 = arith.sitofp %convert_element_type3A_136 : vector<8x64xi32> to vector<8x64xf32>
    %transpose3A_138 = tpu.transpose %convert_element_type3A_137, [1, 0] : vector<8x64xf32> -> vector<64x8xf32>
    %dot_general3A_139 = arith.constant dense<0.000000e+00> : vector<8x1xf32>
    %dot_general3A_140 = tpu.matmul %convert_element_type3A_137, %get3A_96, %dot_general3A_139 {dimension_numbers = #tpu.dot_dimension_numbers<[1], [0], [0], [1], [0, 0, 1, 1], [], []>, transpose_lhs_hint = false} : vector<8x64xf32>, vector<64x1xf32>, vector<8x1xf32> -> vector<8x1xf32>
    %div3A_141 = arith.constant 0x49800000 : f32
    %div3A_142 = vector.broadcast %div3A_141 : f32 to vector<8x1xf32>
    %div3A_143 = arith.divf %dot_general3A_140, %div3A_142 : vector<8x1xf32>
    %dot_general3A_144 = arith.constant dense<0.000000e+00> : vector<8x1xf32>
    %dot_general3A_145 = tpu.matmul %convert_element_type3A_137, %get3A_101, %dot_general3A_144 {dimension_numbers = #tpu.dot_dimension_numbers<[1], [0], [0], [1], [0, 0, 1, 1], [], []>, transpose_lhs_hint = false} : vector<8x64xf32>, vector<64x1xf32>, vector<8x1xf32> -> vector<8x1xf32>
    %div3A_146 = arith.constant 0x49800000 : f32
    %div3A_147 = vector.broadcast %div3A_146 : f32 to vector<8x1xf32>
    %div3A_148 = arith.divf %dot_general3A_145, %div3A_147 : vector<8x1xf32>
    %mul3A_149 = arith.mulf %div3A_143, %div3A_143 : vector<8x1xf32>
    %sub3A_150 = arith.subf %div3A_148, %mul3A_149 : vector<8x1xf32>
    %dot_general3A_151 = arith.constant dense<0.000000e+00> : vector<64x1xf32>
    %dot_general3A_152 = tpu.matmul %transpose3A_138, %div3A_143, %dot_general3A_151 {dimension_numbers = #tpu.dot_dimension_numbers<[1], [0], [0], [1], [0, 0, 1, 1], [], []>, transpose_lhs_hint = false} : vector<64x8xf32>, vector<8x1xf32>, vector<64x1xf32> -> vector<64x1xf32>
    %dot_general3A_153 = arith.constant dense<0.000000e+00> : vector<64x1xf32>
    %dot_general3A_154 = tpu.matmul %transpose3A_138, %sub3A_150, %dot_general3A_153 {dimension_numbers = #tpu.dot_dimension_numbers<[1], [0], [0], [1], [0, 0, 1, 1], [], []>, transpose_lhs_hint = false} : vector<64x8xf32>, vector<8x1xf32>, vector<64x1xf32> -> vector<64x1xf32>
    %get3A_155 = arith.constant 0 : index
    %get3A_156 = arith.constant 0 : index
    %get3A_157 = vector.load %arg13[%get3A_155, %get3A_156] : memref<64x1xf32, #tpu.memory_space<vmem>>, vector<64x1xf32>
    %add3A_158 = arith.constant 9.99999974E-6 : f32
    %add3A_159 = vector.broadcast %add3A_158 : f32 to vector<64x1xf32>
    %add3A_160 = arith.addf %dot_general3A_154, %add3A_159 : vector<64x1xf32>
    %rsqrt3A_161 = math.rsqrt %add3A_160 : vector<64x1xf32>
    %mul3A_162 = arith.mulf %get3A_157, %rsqrt3A_161 : vector<64x1xf32>
    %get3A_163 = arith.constant 0 : index
    %get3A_164 = arith.constant 0 : index
    %get3A_165 = vector.load %arg14[%get3A_163, %get3A_164] : memref<64x1xf32, #tpu.memory_space<vmem>>, vector<64x1xf32>
    %mul3A_166 = arith.mulf %dot_general3A_152, %mul3A_162 : vector<64x1xf32>
    %sub3A_167 = arith.subf %get3A_165, %mul3A_166 : vector<64x1xf32>
    %ge3A_168 = arith.constant 0.000000e+00 : f32
    %ge3A_169 = vector.broadcast %ge3A_168 : f32 to vector<64x1xf32>
    %ge3A_170 = arith.cmpf oge, %mul3A_162, %ge3A_169 : vector<64x1xf32>
    %get3A_171 = arith.constant 0 : index
    %get3A_172 = arith.constant 0 : index
    %get3A_173 = arith.constant 0 : index
    %get3A_174 = vector.load %arg2[%get3A_171, %get3A_172, %get3A_173] : memref<1x64x4096xf32, #tpu.memory_space<vmem>>, vector<1x64x4096xf32>
    %get3A_175 = vector.shape_cast %get3A_174 : vector<1x64x4096xf32> to vector<64x4096xf32>
    %get3A_176 = arith.constant 0 : index
    %get3A_177 = arith.constant 0 : index
    %get3A_178 = arith.constant 0 : index
    %get3A_179 = vector.load %arg3[%get3A_176, %get3A_177, %get3A_178] : memref<1x64x4096xf32, #tpu.memory_space<vmem>>, vector<1x64x4096xf32>
    %get3A_180 = vector.shape_cast %get3A_179 : vector<1x64x4096xf32> to vector<64x4096xf32>
    %broadcast_in_dim3A_181 = vector.shape_cast %ge3A_170 : vector<64x1xi1> to vector<64x1xi1>
    %broadcast_in_dim3A_182 = vector.broadcast %broadcast_in_dim3A_181 : vector<64x1xi1> to vector<64x4096xi1>
    %select_n3A_183 = arith.select %broadcast_in_dim3A_182, %get3A_175, %get3A_180 : vector<64x4096xi1>, vector<64x4096xf32>
    %mul3A_184 = vector.broadcast %mul3A_162 : vector<64x1xf32> to vector<64x4096xf32>
    %mul3A_185 = arith.mulf %mul3A_184, %select_n3A_183 : vector<64x4096xf32>
    %add3A_186 = vector.broadcast %sub3A_167 : vector<64x1xf32> to vector<64x4096xf32>
    %add3A_187 = arith.addf %mul3A_185, %add3A_186 : vector<64x4096xf32>
    %ge3A_188 = arith.constant 0.000000e+00 : f32
    %ge3A_189 = vector.broadcast %ge3A_188 : f32 to vector<64x4096xf32>
    %ge3A_190 = arith.cmpf oge, %add3A_187, %ge3A_189 : vector<64x4096xf32>
    %get3A_191 = arith.constant 0 : index
    %get3A_192 = arith.constant 0 : index
    %get3A_193 = vector.load %arg15[%get3A_191, %get3A_192] : memref<1x1xf32, #tpu.memory_space<vmem>>, vector<1x1xf32>
    %get3A_194 = vector.extract %get3A_193[0, 0] : f32 from vector<1x1xf32>
    %mul3A_195 = vector.broadcast %get3A_194 : f32 to vector<64x4096xf32>
    %mul3A_196 = arith.mulf %mul3A_195, %add3A_187 : vector<64x4096xf32>
    %select_n3A_197 = arith.select %ge3A_190, %add3A_187, %mul3A_196 : vector<64x4096xi1>, vector<64x4096xf32>
    %get3A_198 = arith.constant 0 : index
    %get3A_199 = arith.constant 0 : index
    %get3A_200 = vector.load %arg16[%get3A_198, %get3A_199] : memref<192x64xf32, #tpu.memory_space<vmem>>, vector<192x64xf32>
    %dot_general3A_201 = arith.constant dense<0.000000e+00> : vector<192x4096xf32>
    %dot_general3A_202 = tpu.matmul %get3A_200, %select_n3A_197, %dot_general3A_201 {dimension_numbers = #tpu.dot_dimension_numbers<[1], [0], [0], [1], [0, 0, 1, 1], [], []>, precision = #tpu.contract_precision<fp32>, transpose_lhs_hint = false} : vector<192x64xf32>, vector<64x4096xf32>, vector<192x4096xf32> -> vector<192x4096xf32>
    %get3A_203 = arith.constant 0 : index
    %get3A_204 = arith.constant 0 : index
    %get3A_205 = vector.load %arg17[%get3A_203, %get3A_204] : memref<192x1xf32, #tpu.memory_space<vmem>>, vector<192x1xf32>
    %add3A_206 = vector.broadcast %get3A_205 : vector<192x1xf32> to vector<192x4096xf32>
    %add3A_207 = arith.addf %dot_general3A_202, %add3A_206 : vector<192x4096xf32>
    %add3A_208 = arith.addf %add3A_91, %add3A_207 : vector<192x4096xf32>
    %swap3A = arith.constant 0 : index
    %swap3A_209 = arith.constant 0 : index
    %swap3A_210 = arith.constant 0 : index
    %swap3A_211 = vector.load %arg18[%swap3A, %swap3A_209, %swap3A_210] : memref<1x192x4096xf32, #tpu.memory_space<vmem>>, vector<1x192x4096xf32>
    %swap3A_212 = vector.shape_cast %swap3A_211 : vector<1x192x4096xf32> to vector<192x4096xf32>
    %swap3A_213 = vector.shape_cast %add3A_208 : vector<192x4096xf32> to vector<1x192x4096xf32>
    tpu.vector_store %arg18[%swap3A, %swap3A_209, %swap3A_210], %swap3A_213 {strides = array<i32>} : memref<1x192x4096xf32, #tpu.memory_space<vmem>>, vector<1x192x4096xf32>,
    return
  }
  func.func @transform_0(%arg0: i32) -> (i32, i32, i32) {
    %c0_i32 = arith.constant 0 : i32
    %c0_i32_0 = arith.constant 0 : i32
    %c0_i32_1 = arith.constant 0 : i32
    return %arg0, %c0_i32, %c0_i32_0 : i32, i32, i32
  }
  func.func @transform_1(%arg0: i32) -> (i32, i32, i32) {
    %c0_i32 = arith.constant 0 : i32
    %c0_i32_0 = arith.constant 0 : i32
    %c0_i32_1 = arith.constant 0 : i32
    return %arg0, %c0_i32, %c0_i32_0 : i32, i32, i32
  }
  func.func @transform_2(%arg0: i32) -> (i32, i32, i32) {
    %c0_i32 = arith.constant 0 : i32
    %c0_i32_0 = arith.constant 0 : i32
    %c0_i32_1 = arith.constant 0 : i32
    return %arg0, %c0_i32, %c0_i32_0 : i32, i32, i32
  }
  func.func @transform_3(%arg0: i32) -> (i32, i32, i32) {
    %c0_i32 = arith.constant 0 : i32
    %c0_i32_0 = arith.constant 0 : i32
    %c0_i32_1 = arith.constant 0 : i32
    return %arg0, %c0_i32, %c0_i32_0 : i32, i32, i32
  }
  func.func @transform_4(%arg0: i32) -> (i32, i32, i32) {
    %c0_i32 = arith.constant 0 : i32
    %c0_i32_0 = arith.constant 0 : i32
    %c0_i32_1 = arith.constant 0 : i32
    return %arg0, %c0_i32, %c0_i32_0 : i32, i32, i32
  }
  func.func @transform_5(%arg0: i32) -> (i32, i32) {
    %c0_i32 = arith.constant 0 : i32
    %c0_i32_0 = arith.constant 0 : i32
    %c0_i32_1 = arith.constant 0 : i32
    return %c0_i32, %c0_i32_0 : i32, i32
  }
  func.func @transform_6(%arg0: i32) -> (i32, i32) {
    %c0_i32 = arith.constant 0 : i32
    %c0_i32_0 = arith.constant 0 : i32
    %c0_i32_1 = arith.constant 0 : i32
    return %c0_i32, %c0_i32_0 : i32, i32
  }
  func.func @transform_7(%arg0: i32) -> (i32, i32) {
    %c0_i32 = arith.constant 0 : i32
    %c0_i32_0 = arith.constant 0 : i32
    %c0_i32_1 = arith.constant 0 : i32
    return %c0_i32, %c0_i32_0 : i32, i32
  }
  func.func @transform_8(%arg0: i32) -> (i32, i32) {
    %c0_i32 = arith.constant 0 : i32
    %c0_i32_0 = arith.constant 0 : i32
    %c0_i32_1 = arith.constant 0 : i32
    return %c0_i32, %c0_i32_0 : i32, i32
  }
  func.func @transform_9(%arg0: i32) -> (i32, i32) {
    %c0_i32 = arith.constant 0 : i32
    %c0_i32_0 = arith.constant 0 : i32
    %c0_i32_1 = arith.constant 0 : i32
    return %c0_i32, %c0_i32_0 : i32, i32
  }
  func.func @transform_10(%arg0: i32) -> (i32, i32) {
    %c0_i32 = arith.constant 0 : i32
    %c0_i32_0 = arith.constant 0 : i32
    %c0_i32_1 = arith.constant 0 : i32
    return %c0_i32, %c0_i32_0 : i32, i32
  }
  func.func @transform_11(%arg0: i32) -> (i32, i32) {
    %c0_i32 = arith.constant 0 : i32
    %c0_i32_0 = arith.constant 0 : i32
    %c0_i32_1 = arith.constant 0 : i32
    return %c0_i32, %c0_i32_0 : i32, i32
  }
  func.func @transform_12(%arg0: i32) -> (i32, i32) {
    %c0_i32 = arith.constant 0 : i32
    %c0_i32_0 = arith.constant 0 : i32
    %c0_i32_1 = arith.constant 0 : i32
    return %c0_i32, %c0_i32_0 : i32, i32
  }
  func.func @transform_13(%arg0: i32) -> (i32, i32) {
    %c0_i32 = arith.constant 0 : i32
    %c0_i32_0 = arith.constant 0 : i32
    %c0_i32_1 = arith.constant 0 : i32
    return %c0_i32, %c0_i32_0 : i32, i32
  }
  func.func @transform_14(%arg0: i32) -> (i32, i32) {
    %c0_i32 = arith.constant 0 : i32
    %c0_i32_0 = arith.constant 0 : i32
    %c0_i32_1 = arith.constant 0 : i32
    return %c0_i32, %c0_i32_0 : i32, i32
  }
  func.func @transform_15(%arg0: i32) -> (i32, i32) {
    %c0_i32 = arith.constant 0 : i32
    %c0_i32_0 = arith.constant 0 : i32
    %c0_i32_1 = arith.constant 0 : i32
    return %c0_i32, %c0_i32_0 : i32, i32
  }
  func.func @transform_16(%arg0: i32) -> (i32, i32) {
    %c0_i32 = arith.constant 0 : i32
    %c0_i32_0 = arith.constant 0 : i32
    %c0_i32_1 = arith.constant 0 : i32
    return %c0_i32, %c0_i32_0 : i32, i32
  }
  func.func @transform_17(%arg0: i32) -> (i32, i32, i32) {
    %c0_i32 = arith.constant 0 : i32
    %c0_i32_0 = arith.constant 0 : i32
    %c0_i32_1 = arith.constant 0 : i32
    return %arg0, %c0_i32, %c0_i32_0 : i32, i32, i32
  }
}

</mosaic_0001>

<sc_bundles>
// kernel: kernel.6.cloned.1.call-start
scs
__scs_entry_jumppad:
0x0: {  	(pc) =	sbr.rel $0x88, $3  }
0x1: {  	(tag) =	ssettag $0x0;
	lr =	simm.s32 $0x1  }
0x2: {  	[smem:$0x3F8F] =	sst lr;
	_ =	strace $0xD0000000  }
0x3: {  	_ = 	snop  }
0x4: {  	_ = 	snop  }
0x5: {  	_ = 	snop  }
0x6: {  	_ = 	snop  }
0x7: {  	_ = 	snop  }
__scs_overlays_trampoline_lowered:
0x8: {  	[smem:$0x3F9E] =	sst s0  }
0x9: {  	[smem:$0x3F9F] =	sst s1  }
0xa: {  	[smem:$0x3FA0] =	sst s2  }
0xb: {  	[smem:$0x3FA1] =	sst s3  }
0xc: {  	[smem:$0x3FA2] =	sst s4  }
0xd: {  	[smem:$0x3FA3] =	sst s5  }
0xe: {  	[smem:$0x3FA4] =	sst s6  }
0xf: {  	[smem:$0x3FA5] =	sst s7  }
0x10: {  	[smem:$0x3FA6] =	sst s8  }
0x11: {  	[smem:$0x3FA7] =	sst s9;
	s0 =	simm.s32 @!p0 $0x0  }
0x12: {  	s1 =	sld [smem:$0x3F8D];
	s0 =	simm.s32 @p0 $0x1  }
0x13: {  	[smem:$0x3FA8] =	sst s0;
	s0 =	simm.s32 @!p1 $0x0  }
0x14: {  	s2 =	sld [smem:$0x3F8C];
	s0 =	simm.s32 @p1 $0x1  }
0x15: {  	[smem:$0x3FA9] =	sst s0;
	s0 =	simm.s32 @!p2 $0x0  }
0x16: {  	s3 =	sld [smem:$0x3FDB];
	s0 =	simm.s32 @p2 $0x1  }
0x17: {  	s4 =	simm.s32 $0x1BF5;
	[smem:$0x3FAB] =	sst s0  }
0x18: {  	s0 =	sld [smem:$0x3F8E];
	_ =	swait.ge [sflag:s4], $0x0  }
0x19: {  	s7 =	sld [smem:$0x3F8F]  }
0x1a: {  	s8 =	sadd.s32 $0xFFFFE003, lr  }
0x1b: {  	s9 =	sadd.s32 $0xFFFFFEF7, lr;
	s5 =	simm.s32 $0xFFFFFFFF;
	p2 =	slt.u32 s8, $0xFFFFF086  }
0x1c: {  	p1 =	slt.u32 s9, $0xF7A;
	s5 =	simm.s32 @!p2 $0x0  }
0x1d: {  	s5 =	simm.s32 @p1 $0x1;
	p0 =	seq.s32 s7, s2  }
0x1e: {  	s7 =	smul.u32 @!p0 $0xF7A, s2;
	p2 =	seq.s32 @!p0 s5, $0x0  }
0x1f: {  	s9 =	smul.u32 $0xF7A, s1;
	s8 =	simm.s32 @!p0 $0x1BF5;
	p2 =	por !p2, p0  }
0x20: {  	[sflag:s8] =	ssyncset.s32 @!p0 $0xFFFFF086;
	s6 =	sadd.s32 @!p0 s3, s7;
	s7 =	simm.s32 @!p0 $0x108  }
0x21: {  	s3 =	sadd.s32 s3, s9;
	s6 =	sadd.s32 @!p0 $0x88, s6;
	s7 =	simm.s32 @p2 $0x1082  }
0x22: {  	[simem:s7], [sflag:s8] =	dma.local @!p0 [hbm:s6], $0xF7A  }
0x23: {  	s9 =	sor.u32 $0xD0000000, s2;
	s6 =	simm.s32 $0x108;
	_ =	swait.ge @!p0 [sflag:s8], $0x0  }
0x24: {  	s3 =	sadd.s32 $0x88, s3;
	s6 =	simm.s32 @!p1 $0x1082;
	[sflag:s4] =	ssyncset.s32 $0xFFFFF086  }
0x25: {  	[simem:s6], [sflag:s4] =	dma.local [hbm:s3], $0xF7A  }
0x26: {  	[smem:$0x3F8F] =	sst s1;
	(tag) =	ssettag s2;
	_ =	strace s9  }
0x27: {  	s1 =	sld [smem:$0x3F9F]  }
0x28: {  	s2 =	sld [smem:$0x3FA0]  }
0x29: {  	s4 =	sld [smem:$0x3FA2]  }
0x2a: {  	p0 =	seq.s32 s5, $0x0;
	s5 =	sld [smem:$0x3FA3]  }
0x2b: {  	s6 =	sld [smem:$0x3FA4]  }
0x2c: {  	s7 =	sld [smem:$0x3FA5]  }
0x2d: {  	s3 =	simm.s32 $0x108;
	s8 =	sld [smem:$0x3FA6]  }
0x2e: {  	s3 =	simm.s32 @!p0 $0x1082;
	s9 =	sld [smem:$0x3FA7]  }
0x2f: {  	lr =	sadd.s32 s0, s3;
	s0 =	sld [smem:$0x3F9E]  }
0x30: {  	s3 =	sld [smem:$0x3FA1]  }
0x31: {  	[smem:$0x3FAA] =	sst s10  }
0x32: {  	s10 =	sld [smem:$0x3FA8];
	_ =	sdelay $0x3  }
0x33: {  	p0 =	seq.s32 s10, $0x1;
	s10 =	sld [smem:$0x3FAA];
	_ =	sdelay $0x3  }
0x34: {  	[smem:$0x3FAA] =	sst s10  }
0x35: {  	s10 =	sld [smem:$0x3FA9];
	_ =	sdelay $0x3  }
0x36: {  	p1 =	seq.s32 s10, $0x1;
	s10 =	sld [smem:$0x3FAA];
	_ =	sdelay $0x3  }
0x37: {  	[smem:$0x3FAA] =	sst s10  }
0x38: {  	s10 =	sld [smem:$0x3FAB]  }
0x39: {  	_ = 	snop;
	(pc) =	sbr.ind lr, $3  }
0x3a: {  	_ = 	snop  }
0x3b: {  	_ = 	snop  }
0x3c: {  	p2 =	seq.s32 s10, $0x1;
	s10 =	sld [smem:$0x3FAA]  }
0x3d: {  	_ =	shalt  }
0x3e: {  	_ =	shalt  }
0x3f: {  	_ =	shalt  }
0x40: {  	_ =	shalt  }
0x41: {  	_ =	shalt  }
0x42: {  	_ =	shalt  }
0x43: {  	_ =	shalt  }
0x44: {  	_ =	shalt  }
0x45: {  	_ =	shalt  }
0x46: {  	_ =	shalt  }
0x47: {  	_ =	shalt  }
0x48: {  	_ =	shalt  }
0x49: {  	_ =	shalt  }
0x4a: {  	_ =	shalt  }
0x4b: {  	_ =	shalt  }
0x4c: {  	_ =	shalt  }
0x4d: {  	_ =	shalt  }
0x4e: {  	_ =	shalt  }
0x4f: {  	_ =	shalt  }
0x50: {  	_ =	shalt  }
0x51: {  	_ =	shalt  }
0x52: {  	_ =	shalt  }
0x53: {  	_ =	shalt  }
0x54: {  	_ =	shalt  }
0x55: {  	_ =	shalt  }
0x56: {  	_ =	shalt  }
0x57: {  	_ =	shalt  }
0x58: {  	_ =	shalt  }
0x59: {  	_ =	shalt  }
0x5a: {  	_ =	shalt  }
0x5b: {  	_ =	shalt  }
0x5c: {  	_ =	shalt  }
0x5d: {  	_ =	shalt  }
0x5e: {  	_ =	shalt  }
0x5f: {  	_ =	shalt  }
0x60: {  	_ =	shalt  }
0x61: {  	_ =	shalt  }
0x62: {  	_ =	shalt  }
0x63: {  	_ =	shalt  }
0x64: {  	_ =	shalt  }
0x65: {  	_ =	shalt  }
0x66: {  	_ =	shalt  }
0x67: {  	_ =	shalt  }
0x68: {  	_ =	shalt  }
0x69: {  	_ =	shalt  }
0x6a: {  	_ =	shalt  }
0x6b: {  	_ =	shalt  }
0x6c: {  	_ =	shalt  }
0x6d: {  	_ =	shalt  }
0x6e: {  	_ =	shalt  }
0x6f: {  	_ =	shalt  }
0x70: {  	_ =	shalt  }
0x71: {  	_ =	shalt  }
0x72: {  	_ =	shalt  }
0x73: {  	_ =	shalt  }
0x74: {  	_ =	shalt  }
0x75: {  	_ =	shalt  }
0x76: {  	_ =	shalt  }
0x77: {  	_ =	shalt  }
0x78: {  	_ =	shalt  }
0x79: {  	_ =	shalt  }
0x7a: {  	_ =	shalt  }
0x7b: {  	_ =	shalt  }
0x7c: {  	_ =	shalt  }
0x7d: {  	_ =	shalt  }
0x7e: {  	_ =	shalt  }
0x7f: {  	_ =	shalt  }
0x80: {  	_ =	shalt  }
0x81: {  	_ =	shalt  }
0x82: {  	_ =	shalt  }
0x83: {  	_ =	shalt  }
0x84: {  	_ =	shalt  }
0x85: {  	_ =	shalt  }
0x86: {  	_ =	shalt  }
0x87: {  	_ =	shalt  }
.Lfunc_end0:
.L_simem_size_0:
called_computation_lowered:
.L_overlay_start_0:
0x88: {  	s2 =	sld [smem:$0x3FD9]  }
0x89: {  	s3 =	sld [smem:$0x3FFE];
	_ =	sdelay $0x1  }
0x8a: {  	s1 =	srdreg.scid  }
0x8b: {  	s0 =	sand.u32 $0x1, s1  }
0x8c: {  	s17 =	sshll.u32 s0, $0xA;
	s2 =	sadd.s32 s3, s2  }
0x8d: {  	s2 =	sadd.s32 s2, s17  }
0x8e: {  	[smem:$0x3FB6] =	sst s2  }
0x8f: {  	_ = 	snop  }
0x90: {  	s2 =	sld [smem:$0x3FD0];
	(tm) =	ssettm $0x1  }
0x91: {  	s18 =	sld [smem:$0x3FFB];
	_ =	sdelay $0x3  }
0x92: {  	_ =	strace s18  }
0x93: {  	s3 =	sld [smem:$0x3FFC];
	_ =	sdelay $0x3  }
0x94: {  	_ =	strace s3  }
0x95: {  	s3 =	sld [smem:$0x3FFD];
	_ =	sdelay $0x3  }
0x96: {  	_ =	strace s3  }
0x97: {  	_ =	strace $0x8FFFFFFF  }
0x98: {  	s19 =	sld [smem:$0x3FDB];
	_ =	sdelay $0x1  }
0x99: {  	s4 =	simm.s32 $_scs_section_size  }
0x9a: {  	s5 =	simm.s32 $_size__tile_overlayer_lowered;
	s6 =	simm.s32 $_tile_overlayer_lowered  }
0x9b: {  	s22 =	simm.s32 $0x1BFF;
	s21 =	sshll.u32 s6, $0x1;
	s3 =	sadd.s32 s4, s19  }
0x9c: {  	s7 =	simm.s32 $0x0;
	s20 =	sshll.u32 s5, $0x1;
	s5 =	sadd.s32 s21, s3  }
0x9d: {  	[timem:s7], [sflag:s22] =	dma.local [hbm:s5], s20  }
0x9e: {  	_ =	swait.ge [sflag:s22], s20  }
0x9f: {  	s4 =	ssub.s32 $0x0, s20;
	[sflag:s22] =	ssyncset.done $0x0  }
0xa0: {  	[sflag:s22] =	ssyncadd.s32 s4;
	_ =	sdelay $0x1  }
0xa1: {  	s23 =	simm.s32 $0x1B8B  }
0xa2: {  	_ =	swait.ge [sflag:s23], $0x1  }
0xa3: {  	[sflag:s23] =	ssyncset.done $0x0  }
0xa4: {  	s25 =	simm.s32 $0x1B8E;
	s24 =	sld [smem:$0x3FFE];
	[sflag:s23] =	ssyncadd.s32 $0xFFFFFFFF  }
0xa5: {  	s26 =	simm.s32 $execute0_lowered;
	[smem:$0x3FD2] =	sst s25  }
0xa6: {  	s5 =	sshll.u32 s26, $0x1;
	_ =	strace $0x80000046;
	[dreg:$0x1] =	wrdreg $0xFFFFFFFF  }
0xa7: {  	s28 =	simm.s32 $_size_execute0_lowered;
	s3 =	sadd.s32 s3, s5;
	[dreg:$0x0] =	wrdreg $0x0  }
0xa8: {  	s5 =	sshll.u32 s28, $0x1;
	[dreg:$0x2] =	wrdreg s3  }
0xa9: {  	[dreg:$0x3] =	wrdreg s5  }
0xaa: {  	[dreg:$0x4] =	wrdreg $0xC0  }
0xab: {  	_ =	task [dreg:s7], $0x5FFFF  }
0xac: {  	[dreg:$0x1] =	wrdreg $0xFFFFFFFF  }
0xad: {  	[dreg:$0x0] =	wrdreg $0x60  }
0xae: {  	[dreg:$0x2] =	wrdreg s24  }
0xaf: {  	[dreg:$0x3] =	wrdreg s2  }
0xb0: {  	[dreg:$0x4] =	wrdreg $0x9  }
0xb1: {  	_ =	task.clear_ibuf [dreg:s7], $0x5FFFF;
	_ =	strace $0x90000046  }
0xb2: {  	s29 =	simm.s32 $0x9;
	_ =	strace $0x80000048  }
0xb3: {  	_ =	swait.ge [sflag:s29], $0x1  }
0xb4: {  	[sflag:s29] =	ssyncadd.s32 $0xFFFFFFFF  }
0xb5: {  	_ =	strace $0x90000048  }
0xb6: {  	_ =	sfence  }
0xb7: {  	s30 =	sld [smem:$0x0];
	_ =	sdelay $0x2  }
0xb8: {  	s31 =	sshll.u32 s1, $0xD;
	s1 =	sshrl.u32 s1, $0x2  }
0xb9: {  	s3 =	sand.u32 $0x4000, s31;
	s1 =	sadd.s32 s1, s30  }
0xba: {  	s0 =	sor.u32 s3, s0;
	s1 =	sshll.u32 s1, $0x11  }
0xbb: {  	s0 =	sor.u32 s1, s0  }
0xbc: {  	s0 =	sadd.s32 $0x8F2B, s0  }
0xbd: {  	[sflag:s0] =	ssyncadd.remote.s32 $0x1  }
0xbe: {  	_ =	sfence.sel $0xFFFF  }
0xbf: {  	[dreg:$0x0] =	wrdreg $0xFFFFFFFF;
	(pc) =	sbr.abs _section_cstart, $3  }
0xc0: {  	[dreg:$0x1] =	wrdreg $0xFFFFFFFF  }
0xc1: {  	_ =	task.clear_ibuf [dreg:s7], $0x2FFFF;
	_ =	strace $0x9FFFFFFF  }
0xc2: {  	(tm) =	ssettm $0x7FFFFFFF  }
0xc3: {  	_ =	shalt  }
tec
execute0_lowered:
.L_overlay_start_1:
0x0: {  	(tag) =	ssettag $0x1  }
0x1: {  	s5 =	rddreg [dreg:$0x0];
	s1 =	srdreg.scid  }
0x2: {  	s0 =	stileid.u32;
	s2 =	rddreg [dreg:$0x1]  }
0x3: {  	s11 =	simm.s32 $0x8380;
	s12 =	simm.s32 $0xA980;
	s13 =	simm.s32 $0xAA00  }
0x4: {  	s14 =	simm.s32 $0x8980;
	s15 =	simm.s32 $0x0;
	s6 =	sand.u32 $0x1, s1  }
0x5: {  	s3 =	sshll.u32 s0, $0x1;
	s1 =	rddreg [dreg:$0x2];
	s4 =	sshrl.u32 s0, $0x3  }
0x6: {  	s7 =	sor.u32 s6, s3;
	s3 =	simm.s32 $0x0;
	s9 =	smul.u32 $0xC0, s4  }
0x7: {  	s6 =	ssub.s32 $0x2, s6;
	s8 =	smul.u32 $0x60, s7;
	[smem:$0x7FF] =	sst s3  }
0x8: {  	s4 =	sadd.s32 $0x3600, s5;
	s31 =	sshrl.u32 s6, $0x1;
	_ =	strace $0x80000047  }
0x9: {  	s9 =	sadd.s32 s9, s5;
	s10 =	ssub.s32 s6, s31;
	s8 =	sadd.s32 s8, s5  }
0xa: {  	s5 =	sshll.u32 s7, $0x8;
	s7 =	sadd.s32 $0x3400, s9;
	s9 =	simm.s32 $0x8000  }
0xb: {  	v0 =	vimm.f32 $0.0e+00;
	v1 =	vimm.f32 $1.000000000e+00;
	s6 =	sadd.s32 $0x2800, s8;
	s8 =	smax.u32 s10, $0x1;
	s10 =	simm.s32 $0x1  }
.LBB2_1:
0xc: {  	[tilespmem:s9], [sflag:$0x1] =	stream.linear.gather [hbm4b:s6+s3], $0x300, $0x38;
	[tilespmem:$0xAA80] =	vst v63  }
0xd: {  	_ =	swait.ge [sflag:s10], $0x300  }
0xe: {  	[sflag:s10] =	ssyncset.done $0x0  }
0xf: {  	[sflag:s10] =	ssyncadd.s32 $0xFFFFFD00  }
0x10: {  	[tilespmem:s11], [sflag:$0x1] =	stream.linear.gather [hbm4b:s7+s3], $0x600, $0x38;
	[tilespmem:$0xAA80] =	vst v63  }
0x11: {  	_ =	swait.ge [sflag:s10], $0x600  }
0x12: {  	[sflag:s10] =	ssyncset.done $0x0  }
0x13: {  	[sflag:s10] =	ssyncadd.s32 $0xFFFFFA00  }
0x14: {  	[tilespmem:$0xA980] =	vst v0  }
0x15: {  	[tilespmem:$0xAA00] =	vst v0  }
0x16: {  	[tilespmem:$0xA990] =	vst v0  }
0x17: {  	[tilespmem:$0xAA10] =	vst v0  }
0x18: {  	[tilespmem:$0xA9A0] =	vst v0  }
0x19: {  	[tilespmem:$0xAA20] =	vst v0  }
0x1a: {  	[tilespmem:$0xA9B0] =	vst v0  }
0x1b: {  	[tilespmem:$0xAA30] =	vst v0  }
0x1c: {  	[tilespmem:$0xA9C0] =	vst v0  }
0x1d: {  	[tilespmem:$0xAA40] =	vst v0  }
0x1e: {  	[tilespmem:$0xA9D0] =	vst v0  }
0x1f: {  	s16 =	simm.s32 $0x0;
	[tilespmem:$0xAA50] =	vst v0  }
.LBB2_2:
0x20: {  	s18 =	sshll.u32 s16, $0x6  }
0x21: {  	s17 =	sadd.s32 s5, s18  }
0x22: {  	s19 =	sshll.u32 s17, $0x6  }
0x23: {  	s20 =	sadd.s32 s4, s19;
	s19 =	simm.s32 $0x0  }
0x24: {  	[tilespmem:s19], [sflag:$0x1] =	stream.linear.gather [hbm4b:s20+s19], $0x8000, $0x38;
	[tilespmem:$0xAA80] =	vst v63  }
0x25: {  	_ =	swait.ge [sflag:s10], $0x8000  }
0x26: {  	[sflag:s10] =	ssyncset.done $0x0  }
0x27: {  	s20 =	simm.s32 $0x0;
	[sflag:s10] =	ssyncadd.s32 $0xFFFF8000  }
.LBB2_3:
0x28: {  	s21 =	sadd.s32 s18, s20  }
0x29: {  	s21 =	smul.u32 $0xC, s21;
	_ =	sdelay $0x1  }
0x2a: {  	s21 =	sshra.s32 s21, $0x2  }
0x2b: {  	v4 =	vld [tilespmem:s21+$0x8000]  }
0x2c: {  	s21 =	simm.s32 $0x8380  }
0x2d: {  	s22 =	sand.u32 $0x1F0, s19;
	v5 =	vld [tilespmem:s21+$0x0]  }
0x2e: {  	v6 =	vld [tilespmem:s22+$0x8580]  }
0x2f: {  	v7 =	vld [tilespmem:s22+$0x8780]  }
0x30: {  	v2 =	vbroadcast v4, $0x0  }
0x31: {  	v3 =	vbroadcast v4, $0x1  }
0x32: {  	v4 =	vbroadcast v4, $0x2;
	v5 =	vsub.f32 v5, v2  }
0x33: {  	v6 =	vsub.f32 v6, v3  }
0x34: {  	v7 =	vsub.f32 v7, v4;
	v9 =	vadd.f32 v5, v5  }
0x35: {  	v8 =	vmul.f32 $4.000000000e+00, v5;
	v5 =	vadd.f32 $1.258291200e+07, v5;
	v11 =	vadd.f32 v6, v6  }
0x36: {  	v10 =	vmul.f32 $4.000000000e+00, v6;
	v6 =	vadd.f32 $1.258291200e+07, v6;
	v13 =	vadd.f32 v7, v7  }
0x37: {  	v16 =	vmul.f32 $4.000000000e+00, v7;
	v7 =	vadd.f32 $1.258291200e+07, v7;
	v8 =	vadd.f32 $1.258291200e+07, v8  }
0x38: {  	v9 =	vadd.f32 $1.258291200e+07, v9;
	v10 =	vadd.f32 $1.258291200e+07, v10  }
0x39: {  	v11 =	vadd.f32 $1.258291200e+07, v11;
	v13 =	vadd.f32 $1.258291200e+07, v13  }
0x3a: {  	v16 =	vadd.f32 $1.258291200e+07, v16;
	v5 =	vadd.f32 $-1.258291200e+07, v5  }
0x3b: {  	v62 =	vadd.f32 $-1.258291200e+07, v7;
	v8 =	vadd.f32 $-1.258291200e+07, v8  }
0x3c: {  	v10 =	vadd.f32 $-1.258291200e+07, v10;
	v11 =	vadd.f32 $-1.258291200e+07, v11  }
0x3d: {  	v9 =	vadd.f32 $-1.258291200e+07, v9;
	v13 =	vadd.f32 $-1.258291200e+07, v13  }
0x3e: {  	v60 =	vadd.f32 $-1.258291200e+07, v16;
	v63 =	vmul.f32 $9.000000000e+00, v5;
	v12 =	vand.u32 $0x7FFFFFFF, v8  }
0x3f: {  	v14 =	vand.u32 $0x7FFFFFFF, v10;
	v59 =	vmul.f32 $9.000000000e+00, v9;
	v15 =	vmul.f32 $3.000000000e+00, v11  }
0x40: {  	v8 =	vmul.f32 $9.000000000e+00, v8;
	v10 =	vmul.f32 $3.000000000e+00, v10;
	v9 =	vand.u32 $0x7FFFFFFF, v9  }
0x41: {  	v5 =	vand.u32 $0x7FFFFFFF, v5;
	vm2 =	vle.f32 v9, $1.000000000e+00;
	v9 =	vadd.f32 v15, v59  }
0x42: {  	vm1 =	vle.f32 v5, $1.000000000e+00;
	v8 =	vadd.f32 v10, v8;
	v10 =	vadd.f32 $-1.258291200e+07, v6  }
0x43: {  	v11 =	vand.u32 $0x7FFFFFFF, v11;
	v7 =	vand.u32 $0x7FFFFFFF, v60;
	v9 =	vadd.f32 v9, v13  }
0x44: {  	v6 =	vand.u32 $0x7FFFFFFF, v10;
	v10 =	vmul.f32 $3.000000000e+00, v10;
	v8 =	vadd.f32 v8, v60  }
0x45: {  	s23 =	sshll.u32 s20, $0x7;
	s22 =	sshll.u32 s20, $0x9;
	vm0 =	vle.f32 v14, $1.000000000e+00;
	vm3 =	vle.f32 v7, $1.000000000e+00;
	v7 =	vadd.f32 $4.000000000e+01, v9  }
0x46: {  	s25 =	sand.u32 $0x3000, s19;
	s23 =	sand.u32 $0x380, s23;
	s24 =	sand.u32 $0x7000, s22;
	vm5 =	vle.f32 v12, $1.000000000e+00;
	v9 =	vadd.f32 $1.300000000e+01, v8;
	v10 =	vadd.f32 v10, v63  }
0x47: {  	s30 =	sshrl.u32 s25, $0x2;
	s23 =	sor.u32 s23, s24;
	v61 =	vand.u32 $0x7FFFFFFF, v13;
	vm4 =	vle.f32 v11, $1.000000000e+00;
	vm0 =	vmand vm5, vm0  }
0x48: {  	s31 =	sand.u32 $0x70, s19;
	s24 =	sadd.s32 s30, s23;
	vm2 =	vmand vm2, vm4;
	v5 =	vtrunc.f32 v9;
	v9 =	vadd.f32 v10, v62  }
0x49: {  	s25 =	sadd.s32 s31, s24;
	vm0 =	vmand vm0, vm3;
	vm3 =	vle.f32 v61, $1.000000000e+00;
	v10 =	vcvt.f32.s32 v5  }
0x4a: {  	s24 =	simm.s32 $0x10;
	v8 =	vtrunc.f32 v7;
	v7 =	vand.u32 $0x7FFFFFFF, v62;
	v5 =	vld [tilespmem:s25+$0x0];
	s25 =	simm.s32 $0x0;
	v9 =	vadd.f32 $6.700000000e+01, v9  }
.LBB2_4:
0x4b: {  	p0 =	sne.s32 s24, $0x1F0;
	v10 =	vnsel vm0, $0x0, v10;
	v8 =	vcvt.f32.s32 v8;
	vm4 =	vle.f32 v6, $1.000000000e+00;
	s25 =	sadd.s32 $0x200, s25;
	s21 =	sadd.s32 $0x10, s21  }
0x4c: {  	vm2 =	vmand vm2, vm3;
	s26 =	smov.u32 s24;
	s24 =	sadd.s32 $0x10, s24;
	vm1 =	vmand vm1, vm4;
	v6 =	vtrunc.f32 v9  }
0x4d: {  	vm3 =	vle.f32 v7, $1.000000000e+00;
	v8 =	vnsel vm2, $0x0, v8;
	v6 =	vcvt.f32.s32 v6  }
0x4e: {  	vm1 =	vmand vm1, vm3  }
0x4f: {  	v6 =	vnsel vm1, $0x0, v6  }
0x50: {  	s28 =	sand.u32 $0x1F0, s26;
	[tilespmem:v10+s12+$0x0] =	vst.idx.add.f32.msk vm0, v5  }
0x51: {  	[tilespmem:v10+s13+$0x0] =	vst.idx.add.f32.msk vm0, v1  }
0x52: {  	[tilespmem:v8+s12+$0x0] =	vst.idx.add.f32.msk vm2, v5  }
0x53: {  	[tilespmem:v8+s13+$0x0] =	vst.idx.add.f32.msk vm2, v1  }
0x54: {  	s29 =	sand.u32 $0x3000, s25;
	[tilespmem:v6+s12+$0x0] =	vst.idx.add.f32.msk vm1, v5  }
0x55: {  	s29 =	sshrl.u32 s29, $0x2;
	[tilespmem:v6+s13+$0x0] =	vst.idx.add.f32.msk vm1, v1  }
0x56: {  	s26 =	sand.u32 $0x70, s26;
	s29 =	sadd.s32 s29, s23;
	v6 =	vld [tilespmem:s21+$0x0]  }
0x57: {  	s26 =	sadd.s32 s26, s29;
	v7 =	vld [tilespmem:s28+$0x8580]  }
0x58: {  	v5 =	vld [tilespmem:s26+$0x0];
	_ =	sdelay $0x2  }
0x59: {  	v6 =	vsub.f32 v6, v2;
	v8 =	vld [tilespmem:s28+$0x8780]  }
0x5a: {  	v7 =	vsub.f32 v7, v3  }
0x5b: {  	v9 =	vmul.f32 $4.000000000e+00, v6;
	v10 =	vadd.f32 v6, v6;
	v11 =	vadd.f32 $1.258291200e+07, v6  }
0x5c: {  	v6 =	vmul.f32 $4.000000000e+00, v7;
	v12 =	vadd.f32 v7, v7;
	v7 =	vadd.f32 $1.258291200e+07, v7  }
0x5d: {  	v9 =	vadd.f32 $1.258291200e+07, v9;
	v10 =	vadd.f32 $1.258291200e+07, v10  }
0x5e: {  	v6 =	vadd.f32 $1.258291200e+07, v6;
	v12 =	vadd.f32 $1.258291200e+07, v12  }
0x5f: {  	v8 =	vsub.f32 v8, v4;
	v9 =	vadd.f32 $-1.258291200e+07, v9  }
0x60: {  	v6 =	vadd.f32 $-1.258291200e+07, v6;
	v12 =	vadd.f32 $-1.258291200e+07, v12  }
0x61: {  	v10 =	vadd.f32 $-1.258291200e+07, v10;
	v14 =	vadd.f32 v8, v8;
	v13 =	vand.u32 $0x7FFFFFFF, v9  }
0x62: {  	v9 =	vmul.f32 $9.000000000e+00, v9;
	v15 =	vand.u32 $0x7FFFFFFF, v6;
	v6 =	vmul.f32 $3.000000000e+00, v6  }
0x63: {  	v16 =	vmul.f32 $3.000000000e+00, v12;
	vm0 =	vle.f32 v15, $1.000000000e+00;
	v15 =	vmul.f32 $9.000000000e+00, v10  }
0x64: {  	v7 =	vadd.f32 $-1.258291200e+07, v7;
	v17 =	vmul.f32 $4.000000000e+00, v8;
	v9 =	vadd.f32 v6, v9  }
0x65: {  	v8 =	vadd.f32 $1.258291200e+07, v8;
	v14 =	vadd.f32 $1.258291200e+07, v14;
	v12 =	vand.u32 $0x7FFFFFFF, v12  }
0x66: {  	v17 =	vadd.f32 $1.258291200e+07, v17;
	v10 =	vand.u32 $0x7FFFFFFF, v10;
	v6 =	vand.u32 $0x7FFFFFFF, v7  }
0x67: {  	v14 =	vadd.f32 $-1.258291200e+07, v14;
	vm2 =	vle.f32 v10, $1.000000000e+00;
	v10 =	vadd.f32 v16, v15  }
0x68: {  	v11 =	vadd.f32 $-1.258291200e+07, v11;
	v7 =	vmul.f32 $3.000000000e+00, v7;
	v15 =	vadd.f32 $-1.258291200e+07, v17  }
0x69: {  	v16 =	vand.u32 $0x7FFFFFFF, v14;
	v10 =	vadd.f32 v10, v14;
	v14 =	vadd.f32 $-1.258291200e+07, v8  }
0x6a: {  	v8 =	vand.u32 $0x7FFFFFFF, v15;
	v9 =	vadd.f32 v9, v15;
	v15 =	vmul.f32 $9.000000000e+00, v11  }
0x6b: {  	vm3 =	vle.f32 v8, $1.000000000e+00;
	v8 =	vadd.f32 $4.000000000e+01, v10;
	v10 =	vand.u32 $0x7FFFFFFF, v11  }
.Ltmp0:
0x6c: {  	vm4 =	vle.f32 v12, $1.000000000e+00;
	v9 =	vadd.f32 $1.300000000e+01, v9;
	v11 =	vadd.f32 v7, v15;
	(pc) =	sbr.rel @p0 .LBB2_4-.Ltmp0, $4  }
0x6d: {  	v7 =	vand.u32 $0x7FFFFFFF, v14;
	vm1 =	vle.f32 v10, $1.000000000e+00;
	v8 =	vtrunc.f32 v8  }
0x6e: {  	vm5 =	vle.f32 v13, $1.000000000e+00;
	v9 =	vtrunc.f32 v9;
	v11 =	vadd.f32 v11, v14  }
0x6f: {  	vm0 =	vmand vm5, vm0;
	vm2 =	vmand vm2, vm4;
	v10 =	vcvt.f32.s32 v9  }
0x70: {  	vm0 =	vmand vm0, vm3;
	vm3 =	vle.f32 v16, $1.000000000e+00;
	v9 =	vadd.f32 $6.700000000e+01, v11  }
0x71: {  	v2 =	vnsel vm0, $0x0, v10;
	v3 =	vcvt.f32.s32 v8;
	vm4 =	vle.f32 v6, $1.000000000e+00  }
0x72: {  	vm2 =	vmand vm2, vm3;
	vm15 =	vle.f32 v7, $1.000000000e+00;
	v4 =	vtrunc.f32 v9  }
0x73: {  	vm1 =	vmand vm1, vm4;
	v3 =	vnsel vm2, $0x0, v3;
	v4 =	vcvt.f32.s32 v4  }
0x74: {  	vm1 =	vmand vm1, vm15  }
0x75: {  	v4 =	vnsel vm1, $0x0, v4  }
0x76: {  	[tilespmem:v2+s12+$0x0] =	vst.idx.add.f32.msk vm0, v5  }
0x77: {  	[tilespmem:v2+s13+$0x0] =	vst.idx.add.f32.msk vm0, v1  }
0x78: {  	[tilespmem:v3+s12+$0x0] =	vst.idx.add.f32.msk vm2, v5  }
0x79: {  	[tilespmem:v3+s13+$0x0] =	vst.idx.add.f32.msk vm2, v1  }
0x7a: {  	[tilespmem:v4+s12+$0x0] =	vst.idx.add.f32.msk vm1, v5  }
0x7b: {  	[tilespmem:v4+s13+$0x0] =	vst.idx.add.f32.msk vm1, v1  }
0x7c: {  	v2 =	vld [tilespmem:$0xAA00];
	_ =	sdelay $0x4  }
0x7d: {  	v2 =	vmax.f32 v2, $1.000000000e+00  }
0x7e: {  	(erf) = vrcp.f32 v2;
	_ =	sdelay $0x4  }
0x7f: {  	v2 =	vld [tilespmem:$0xA980];
	_ =	sdelay $0x3  }
0x80: {  	v3 =	vpop (erf)  }
0x81: {  	v2 =	vmul.f32 v3, v2  }
0x82: {  	s21 =	sshrl.u32 s22, $0x2  }
0x83: {  	[tilespmem:s21+$0x8980] =	vst v2  }
0x84: {  	v2 =	vld [tilespmem:$0xAA10];
	_ =	sdelay $0x4  }
0x85: {  	v2 =	vmax.f32 v2, $1.000000000e+00  }
0x86: {  	(erf) = vrcp.f32 v2;
	_ =	sdelay $0x4  }
0x87: {  	v2 =	vld [tilespmem:$0xA990];
	_ =	sdelay $0x3  }
0x88: {  	v3 =	vpop (erf)  }
0x89: {  	[tilespmem:$0xA980] =	vst v0;
	v2 =	vmul.f32 v3, v2  }
0x8a: {  	[tilespmem:$0xAA00] =	vst v0  }
0x8b: {  	[tilespmem:s21+$0x8990] =	vst v2  }
0x8c: {  	v2 =	vld [tilespmem:$0xAA20];
	_ =	sdelay $0x4  }
0x8d: {  	v2 =	vmax.f32 v2, $1.000000000e+00  }
0x8e: {  	(erf) = vrcp.f32 v2;
	_ =	sdelay $0x4  }
0x8f: {  	v2 =	vld [tilespmem:$0xA9A0];
	_ =	sdelay $0x3  }
0x90: {  	v3 =	vpop (erf)  }
0x91: {  	[tilespmem:$0xA990] =	vst v0;
	v2 =	vmul.f32 v3, v2  }
0x92: {  	[tilespmem:$0xAA10] =	vst v0  }
0x93: {  	[tilespmem:s21+$0x89A0] =	vst v2  }
0x94: {  	v2 =	vld [tilespmem:$0xAA30];
	_ =	sdelay $0x4  }
0x95: {  	v2 =	vmax.f32 v2, $1.000000000e+00  }
0x96: {  	(erf) = vrcp.f32 v2;
	_ =	sdelay $0x4  }
0x97: {  	v2 =	vld [tilespmem:$0xA9B0];
	_ =	sdelay $0x3  }
0x98: {  	v3 =	vpop (erf)  }
0x99: {  	[tilespmem:$0xA9A0] =	vst v0;
	v2 =	vmul.f32 v3, v2  }
0x9a: {  	[tilespmem:$0xAA20] =	vst v0  }
0x9b: {  	[tilespmem:s21+$0x89B0] =	vst v2  }
0x9c: {  	v2 =	vld [tilespmem:$0xAA40];
	_ =	sdelay $0x4  }
0x9d: {  	v2 =	vmax.f32 v2, $1.000000000e+00  }
0x9e: {  	(erf) = vrcp.f32 v2;
	_ =	sdelay $0x4  }
0x9f: {  	v2 =	vld [tilespmem:$0xA9C0];
	_ =	sdelay $0x3  }
0xa0: {  	v3 =	vpop (erf)  }
0xa1: {  	[tilespmem:$0xA9B0] =	vst v0;
	v2 =	vmul.f32 v3, v2  }
0xa2: {  	[tilespmem:$0xAA30] =	vst v0  }
0xa3: {  	[tilespmem:s21+$0x89C0] =	vst v2  }
0xa4: {  	v2 =	vld [tilespmem:$0xAA50];
	_ =	sdelay $0x4  }
0xa5: {  	v2 =	vmax.f32 v2, $1.000000000e+00  }
0xa6: {  	(erf) = vrcp.f32 v2;
	_ =	sdelay $0x4  }
0xa7: {  	v2 =	vld [tilespmem:$0xA9D0];
	_ =	sdelay $0x2  }
0xa8: {  	s20 =	sadd.s32 $0x1, s20  }
0xa9: {  	p0 =	sne.s32 s20, $0x40;
	v3 =	vpop (erf)  }
.Ltmp1:
0xaa: {  	[tilespmem:$0xA9C0] =	vst v0;
	v2 =	vmul.f32 v3, v2;
	(pc) =	sbr.rel @p0 .LBB2_3-.Ltmp1, $4  }
0xab: {  	[tilespmem:$0xAA40] =	vst v0  }
0xac: {  	[tilespmem:s21+$0x89D0] =	vst v2  }
0xad: {  	[tilespmem:$0xA9D0] =	vst v0  }
0xae: {  	[tilespmem:$0xAA50] =	vst v0  }
0xaf: {  	s16 =	sadd.s32 $0x1, s16  }
0xb0: {  	s17 =	sshll.u32 s17, $0x4;
	p0 =	sne.s32 s16, $0x4  }
.Ltmp2:
0xb1: {  	s17 =	sadd.s32 s2, s17;
	(pc) =	sbr.rel @p0 .LBB2_2-.Ltmp2, $4  }
0xb2: {  	[hbm4b:s17+s3] =	stream.linear.scatter [tilespmem:s14], [sflag:$0x1], $0x2000, $0x38;
	[tilespmem:$0xAA80] =	vst v63  }
0xb3: {  	_ =	swait.ge [sflag:s10], $0x2000  }
0xb4: {  	[sflag:s10] =	ssyncset.done $0x0  }
0xb5: {  	[sflag:s10] =	ssyncadd.s32 $0xFFFFE000  }
0xb6: {  	s15 =	sadd.s32 $0x1, s15  }
0xb7: {  	p0 =	sne.s32 s15, s8  }
.Ltmp3:
0xb8: {  	_ = 	snop;
	(pc) =	sbr.rel @p0 .LBB2_1-.Ltmp3, $1  }
0xb9: {  	_ =	sdelay $0x3  }
0xba: {  	_ =	sfence.sel $0x180000  }
0xbb: {  	[bflag:$0x0] =	sbarrier.arrive $0xFFFF  }
0xbc: {  	p0 =	sne.s32 s0, $0x0;
	_ =	strace $0x90000047  }
0xbd: {  	s0 =	sadd.s32 @!p0 $0x100000, s1;
	[bflag:$0x2] =	sbarrier.arrive $0xFFFF  }
0xbe: {  	[sflag:s0] =	ssyncadd.tile.s32 @!p0 $0x1;
	_ =	shalt  }
.Lfunc_end2:
_tile_overlayer_lowered:
.L_overlay_start_2:
0xbf: {  	(tag) =	ssettag $0x2  }
0xc0: {  	s0 =	rddreg [dreg:$0x0];
	s2 =	stileid.u32  }
0xc1: {  	s1 =	rddreg [dreg:$0x1];
	p0 =	sne.s32 s2, $0x0  }
0xc2: {  	s3 =	rddreg [dreg:$0x2];
	[bflag:$0x3] =	sbarrier.arrive $0xFFFF;
	s2 =	simm.s32 @!p0 $0x1C01  }
0xc3: {  	[timem:s3], [sflag:s2] =	dma.local @!p0 [hbm:s0], s1  }
0xc4: {  	s0 =	simm.s32 @!p0 $0x1  }
0xc5: {  	_ =	swait.ge @!p0 [sflag:s0], s1  }
0xc6: {  	s1 =	ssub.s32 @!p0 $0x0, s1;
	[sflag:s0] =	ssyncset.done @!p0 $0x0  }
0xc7: {  	[sflag:s0] =	ssyncadd.s32 @!p0 s1  }
0xc8: {  	[bflag:$0x3] =	sbarrier.arrive $0xFFFF  }
0xc9: {  	_ =	shalt  }

</sc_bundles>
